<compile_context>
chip_gen: v7x
topology: tpu7x:2x2x1
jax: 0.10.2.dev20260603
libtpu: 0.0.44.dev20260713+nightly
codegen_flags: <defaults>
</compile_context>

<pallas_src>
import functools

import jax
import jax.numpy as jnp
from jax import lax
from jax.experimental import pallas as pl
from jax.experimental.pallas import tpu as pltpu
from jax.experimental.pallas import tpu_sc as plsc

NC = 2
NS = 16
NW = NC * NS
CH = 128
NBUF = 8


def _gather_call(x2d, emb_table, n_idx, hidden):
    chunks_per_w = n_idx // (NW * CH)
    rows_per_w = n_idx // NW
    ngroups = chunks_per_w // NBUF
    mesh = plsc.VectorSubcoreMesh(core_axis_name="c", subcore_axis_name="s")

    @functools.partial(
        pl.kernel,
        mesh=mesh,
        out_type=jax.ShapeDtypeStruct((n_idx, hidden), jnp.float32),
        compiler_params=pltpu.CompilerParams(use_tc_tiling_on_sc=False),
        scratch_types=[
            pltpu.VMEM((chunks_per_w, CH), jnp.int32),
            pltpu.VMEM((NBUF, CH, hidden), jnp.float32),
            pltpu.SemaphoreType.DMA,
            pltpu.SemaphoreType.DMA,
        ],
    )
    def gather_k(x_hbm, table_hbm, out_hbm, idx_v, rows_v, gsem, osem):
        wid = lax.axis_index("s") * NC + lax.axis_index("c")
        base = wid * rows_per_w
        pltpu.sync_copy(x_hbm.at[pl.ds(wid * chunks_per_w, chunks_per_w)], idx_v)
        for b in range(NBUF):
            pltpu.async_copy(table_hbm.at[idx_v.at[b]], rows_v.at[b], gsem)

        def grp(g, carry):
            j0 = g * NBUF
            for b in range(NBUF):
                pltpu.make_async_copy(
                    table_hbm.at[idx_v.at[j0 + b]], rows_v.at[b], gsem
                ).wait()
                pltpu.async_copy(
                    rows_v.at[b], out_hbm.at[pl.ds(base + (j0 + b) * CH, CH)], osem
                )
            for b in range(NBUF):
                pltpu.make_async_copy(
                    rows_v.at[b], out_hbm.at[pl.ds(base + (j0 + b) * CH, CH)], osem
                ).wait()

                @pl.when(g + 1 < ngroups)
                def _():
                    pltpu.async_copy(
                        table_hbm.at[idx_v.at[j0 + NBUF + b]], rows_v.at[b], gsem
                    )

            return carry

        lax.fori_loop(0, ngroups, grp, 0)

    return gather_k(x2d, emb_table)


def _dense_body(nsub, e_ref, w_ref, b_ref, o_ref):
    rows_pb = e_ref.shape[0]
    npair = rows_pb // nsub
    ncols = w_ref.shape[1]
    ncls2 = ncols // nsub
    e3 = e_ref[...].reshape(npair, nsub, 128)
    w3 = w_ref[...].reshape(128, nsub, ncls2)
    acc = jnp.dot(e3[:, 0, :], w3[:, 0, :], preferred_element_type=jnp.float32)
    for j in range(1, nsub):
        acc += jnp.dot(e3[:, j, :], w3[:, j, :], preferred_element_type=jnp.float32)
    logits = acc + b_ref[...]
    ncls = ncls2 // 2
    out = []
    for h in range(2):
        lg = logits[:, h * ncls:(h + 1) * ncls]
        m = jnp.max(lg, axis=-1, keepdims=True)
        ez = jnp.exp(lg - m)
        lse = jnp.log(jnp.sum(ez, axis=-1, keepdims=True)) + m
        out.append(lg - lse)
    o_ref[...] = jnp.concatenate(out, axis=1)


def _dense_call(e128, w30, b2d, batch, nsub, ncls):
    npair_tot = batch // 2
    npair_blk = 512
    rows_pb = npair_blk * nsub
    grid = npair_tot // npair_blk
    ncols = nsub * 2 * ncls
    body = functools.partial(_dense_body, nsub)
    return pl.pallas_call(
        body,
        grid=(grid,),
        in_specs=[
            pl.BlockSpec((rows_pb, 128), lambda i: (i, 0)),
            pl.BlockSpec((128, ncols), lambda i: (0, 0)),
            pl.BlockSpec((1, 2 * ncls), lambda i: (0, 0)),
        ],
        out_specs=pl.BlockSpec((npair_blk, 2 * ncls), lambda i: (i, 0)),
        out_shape=jax.ShapeDtypeStruct((npair_tot, 2 * ncls), jnp.float32),
    )(e128, w30, b2d)


def kernel(x, emb_table, fc1_w, fc1_b):
    batch, hist = x.shape
    _, hidden = emb_table.shape
    ncls, hidden2 = fc1_w.shape
    n_idx = batch * hist
    nsub = 2 * hidden2 // 128
    x2d = x.reshape(n_idx // CH, CH).astype(jnp.int32)
    embeds = _gather_call(x2d, emb_table, n_idx, hidden)
    e128 = embeds.reshape(n_idx * hidden // 128, 128)
    wt = fc1_w.T
    z = jnp.zeros_like(wt)
    w2 = jnp.concatenate(
        [jnp.concatenate([wt, z], axis=1), jnp.concatenate([z, wt], axis=1)], axis=0
    )
    w30 = w2.reshape(nsub, 128, 2 * ncls).transpose(1, 0, 2).reshape(128, nsub * 2 * ncls)
    b2d = jnp.tile(fc1_b, 2).reshape(1, 2 * ncls)
    out6 = _dense_call(e128, w30, b2d, batch, nsub, ncls)
    return out6.reshape(batch, ncls)

# --- scband reference (transcript-rebuilt; emitter-appended) ---
"""Pipeline reference for scband-emb-net-75196287418495 (READ-ONLY COPY).

The authoritative reference and input builder live on the scoring server;
editing this copy changes nothing except your own understanding.
"""

import jax, jax.numpy as jnp
import numpy as np

EMB_SIZE = 1000000
HIDDEN1 = 16
HIDDEN2 = 320
BATCH = 16384
HIST = 20

def setup_inputs(seed: int = 0) -> dict:
    key = jax.random.key(seed)
    k1, k2, k3, k4 = jax.random.split(key, 4)
    x = jax.random.randint(k1, (BATCH, HIST), 0, EMB_SIZE, dtype=jnp.int64 if jax.config.jax_enable_x64 else jnp.int32)
    emb_table = jax.random.normal(k2, (EMB_SIZE, HIDDEN1), dtype=jnp.float32)
    # torch Linear default init: U(-1/sqrt(fan_in), 1/sqrt(fan_in))
    bound = 1.0 / np.sqrt(HIDDEN2)
    fc1_w = jax.random.uniform(k3, (3, HIDDEN2), minval=-bound, maxval=bound, dtype=jnp.float32)
    fc1_b = jax.random.uniform(k4, (3,), minval=-bound, maxval=bound, dtype=jnp.float32)
    return {"x": x, "emb_table": emb_table, "fc1_w": fc1_w, "fc1_b": fc1_b}

def reference(x, emb_table, fc1_w, fc1_b):
    embeds = jnp.take(emb_table, x, axis=0)            # [B, L, H1] gather
    embeds = embeds.reshape(x.shape[0], -1)             # [B, L*H1] == [B, HIDDEN2]
    out = embeds @ fc1_w.T + fc1_b                      # [B, 3]
    return jax.nn.log_softmax(out, axis=-1)

if __name__ == "__main__":
    import jax
    _d = setup_inputs()
    print(jax.jit(kernel)(*tuple(_d.values())))

</pallas_src>

<mosaic_0001>
#map = affine_map<(d0, d1) -> (0, 0)>
module attributes {stable_mosaic.version = 14 : i64} {
  func.func @gather_k(%arg0: i32, %arg1: i32, %arg2: memref<2560x128xi32, #tpu.memory_space<hbm>>, %arg3: memref<1000000x16xf32, #tpu.memory_space<hbm>>, %arg4: memref<327680x16xf32, #tpu.memory_space<hbm>>, %arg5: memref<80x128xi32, #tpu.memory_space<vmem>>, %arg6: memref<8x128x16xf32, #tpu.memory_space<vmem>>, %arg7: memref<!tpu.dma_semaphore, #tpu.memory_space<semaphore_mem>>, %arg8: memref<!tpu.dma_semaphore, #tpu.memory_space<semaphore_mem>>) attributes {dimension_semantics = [#tpu.dimension_semantics<core_parallel>, #tpu.dimension_semantics<subcore_parallel>], iteration_bounds = array<i64: 2, 16>, scalar_prefetch = 0 : i64, scratch_operands = 4 : i64, tpu.core_type = #tpu.core_type<sc_vector_subcore>, window_params = [{transform_indices = #map}, {transform_indices = #map}, {transform_indices = #map}]} {
    %mul3A = arith.constant 2 : i32
    %mul3A_0 = arith.muli %arg1, %mul3A : i32
    %add3A = arith.addi %mul3A_0, %arg0 : i32
    %mul3A_1 = arith.constant 10240 : i32
    %mul3A_2 = arith.muli %add3A, %mul3A_1 : i32
    %mul3A_3 = arith.constant 80 : i32
    %mul3A_4 = arith.muli %add3A, %mul3A_3 : i32
    "tpu.region"() ({
      %run_scoped3A = tpu.sem_alloc : memref<!tpu.dma_semaphore, #tpu.memory_space<semaphore_mem>>
      %dma_start3A_105 = arith.constant 0 : i32
      %dma_start3A_106 = tpu.memref_slice %arg2[%mul3A_4, %dma_start3A_105] : memref<2560x128xi32, #tpu.memory_space<hbm>> -> memref<80x128xi32, #tpu.memory_space<hbm>>
      %dma_start3A_107 = arith.constant 0 : i32
      %dma_start3A_108 = tpu.memref_slice %arg2[%mul3A_4, %dma_start3A_107] : memref<2560x128xi32, #tpu.memory_space<hbm>> -> memref<80x128xi32, #tpu.memory_space<hbm>>
      tpu.enqueue_dma source(%dma_start3A_108 : memref<80x128xi32, #tpu.memory_space<hbm>>) target(%arg5 : memref<80x128xi32, #tpu.memory_space<vmem>>) target_semaphore(%run_scoped3A : memref<!tpu.dma_semaphore, #tpu.memory_space<semaphore_mem>>)
      %dma_wait3A = arith.constant 0 : i32
      %dma_wait3A_109 = tpu.memref_slice %arg2[%mul3A_4, %dma_wait3A] : memref<2560x128xi32, #tpu.memory_space<hbm>> -> memref<80x128xi32, #tpu.memory_space<hbm>>
      %dma_wait3A_110 = arith.constant 0 : i32
      %dma_wait3A_111 = tpu.memref_slice %arg2[%mul3A_4, %dma_wait3A_110] : memref<2560x128xi32, #tpu.memory_space<hbm>> -> memref<80x128xi32, #tpu.memory_space<hbm>>
      tpu.wait_dma2 semaphore(%run_scoped3A : memref<!tpu.dma_semaphore, #tpu.memory_space<semaphore_mem>>) src(%dma_wait3A_111 : memref<80x128xi32, #tpu.memory_space<hbm>>) dst(%arg5 : memref<80x128xi32, #tpu.memory_space<vmem>>)
      tpu.yield
    }) : () -> ()
    %dma_start3A = arith.constant 0 : i32
    %dma_start3A_5 = arith.constant 0 : i32
    %dma_start3A_6 = arith.constant 0 : i32
    %dma_start3A_7 = arith.constant 0 : i32
    %dma_start3A_8 = tpu.memref_slice %arg6[%dma_start3A_5, %dma_start3A_6, %dma_start3A_7] : memref<8x128x16xf32, #tpu.memory_space<vmem>> -> memref<1x128x16xf32, #tpu.memory_space<vmem>>
    %dma_start3A_9 = tpu.memref_squeeze %dma_start3A_8 : memref<1x128x16xf32, #tpu.memory_space<vmem>> -> memref<128x16xf32, #tpu.memory_space<vmem>>
    %dma_start3A_10 = arith.constant 0 : i32
    %dma_start3A_11 = tpu.memref_slice %arg5[%dma_start3A, %dma_start3A_10] : memref<80x128xi32, #tpu.memory_space<vmem>> -> memref<1x128xi32, #tpu.memory_space<vmem>>
    %dma_start3A_12 = tpu.memref_squeeze %dma_start3A_11 : memref<1x128xi32, #tpu.memory_space<vmem>> -> memref<128xi32, #tpu.memory_space<vmem>>
    %dma_start3A_13 = arith.constant 0 : i32
    %dma_start3A_14 = arith.constant 0 : i32
    %dma_start3A_15 = tpu.memref_slice %arg3[%dma_start3A_13, %dma_start3A_14] : memref<1000000x16xf32, #tpu.memory_space<hbm>> -> memref<1000000x16xf32, #tpu.memory_space<hbm>>
    tpu.enqueue_indirect_dma source(%dma_start3A_15 : memref<1000000x16xf32, #tpu.memory_space<hbm>>) target(%dma_start3A_9 : memref<128x16xf32, #tpu.memory_space<vmem>>) offsets(%dma_start3A_12 : memref<128xi32, #tpu.memory_space<vmem>>) semaphore(%arg7 : memref<!tpu.dma_semaphore, #tpu.memory_space<semaphore_mem>>)
    %dma_start3A_16 = arith.constant 1 : i32
    %dma_start3A_17 = arith.constant 1 : i32
    %dma_start3A_18 = arith.constant 0 : i32
    %dma_start3A_19 = arith.constant 0 : i32
    %dma_start3A_20 = tpu.memref_slice %arg6[%dma_start3A_17, %dma_start3A_18, %dma_start3A_19] : memref<8x128x16xf32, #tpu.memory_space<vmem>> -> memref<1x128x16xf32, #tpu.memory_space<vmem>>
    %dma_start3A_21 = tpu.memref_squeeze %dma_start3A_20 : memref<1x128x16xf32, #tpu.memory_space<vmem>> -> memref<128x16xf32, #tpu.memory_space<vmem>>
    %dma_start3A_22 = arith.constant 0 : i32
    %dma_start3A_23 = tpu.memref_slice %arg5[%dma_start3A_16, %dma_start3A_22] : memref<80x128xi32, #tpu.memory_space<vmem>> -> memref<1x128xi32, #tpu.memory_space<vmem>>
    %dma_start3A_24 = tpu.memref_squeeze %dma_start3A_23 : memref<1x128xi32, #tpu.memory_space<vmem>> -> memref<128xi32, #tpu.memory_space<vmem>>
    %dma_start3A_25 = arith.constant 0 : i32
    %dma_start3A_26 = arith.constant 0 : i32
    %dma_start3A_27 = tpu.memref_slice %arg3[%dma_start3A_25, %dma_start3A_26] : memref<1000000x16xf32, #tpu.memory_space<hbm>> -> memref<1000000x16xf32, #tpu.memory_space<hbm>>
    tpu.enqueue_indirect_dma source(%dma_start3A_27 : memref<1000000x16xf32, #tpu.memory_space<hbm>>) target(%dma_start3A_21 : memref<128x16xf32, #tpu.memory_space<vmem>>) offsets(%dma_start3A_24 : memref<128xi32, #tpu.memory_space<vmem>>) semaphore(%arg7 : memref<!tpu.dma_semaphore, #tpu.memory_space<semaphore_mem>>)
    %dma_start3A_28 = arith.constant 2 : i32
    %dma_start3A_29 = arith.constant 2 : i32
    %dma_start3A_30 = arith.constant 0 : i32
    %dma_start3A_31 = arith.constant 0 : i32
    %dma_start3A_32 = tpu.memref_slice %arg6[%dma_start3A_29, %dma_start3A_30, %dma_start3A_31] : memref<8x128x16xf32, #tpu.memory_space<vmem>> -> memref<1x128x16xf32, #tpu.memory_space<vmem>>
    %dma_start3A_33 = tpu.memref_squeeze %dma_start3A_32 : memref<1x128x16xf32, #tpu.memory_space<vmem>> -> memref<128x16xf32, #tpu.memory_space<vmem>>
    %dma_start3A_34 = arith.constant 0 : i32
    %dma_start3A_35 = tpu.memref_slice %arg5[%dma_start3A_28, %dma_start3A_34] : memref<80x128xi32, #tpu.memory_space<vmem>> -> memref<1x128xi32, #tpu.memory_space<vmem>>
    %dma_start3A_36 = tpu.memref_squeeze %dma_start3A_35 : memref<1x128xi32, #tpu.memory_space<vmem>> -> memref<128xi32, #tpu.memory_space<vmem>>
    %dma_start3A_37 = arith.constant 0 : i32
    %dma_start3A_38 = arith.constant 0 : i32
    %dma_start3A_39 = tpu.memref_slice %arg3[%dma_start3A_37, %dma_start3A_38] : memref<1000000x16xf32, #tpu.memory_space<hbm>> -> memref<1000000x16xf32, #tpu.memory_space<hbm>>
    tpu.enqueue_indirect_dma source(%dma_start3A_39 : memref<1000000x16xf32, #tpu.memory_space<hbm>>) target(%dma_start3A_33 : memref<128x16xf32, #tpu.memory_space<vmem>>) offsets(%dma_start3A_36 : memref<128xi32, #tpu.memory_space<vmem>>) semaphore(%arg7 : memref<!tpu.dma_semaphore, #tpu.memory_space<semaphore_mem>>)
    %dma_start3A_40 = arith.constant 3 : i32
    %dma_start3A_41 = arith.constant 3 : i32
    %dma_start3A_42 = arith.constant 0 : i32
    %dma_start3A_43 = arith.constant 0 : i32
    %dma_start3A_44 = tpu.memref_slice %arg6[%dma_start3A_41, %dma_start3A_42, %dma_start3A_43] : memref<8x128x16xf32, #tpu.memory_space<vmem>> -> memref<1x128x16xf32, #tpu.memory_space<vmem>>
    %dma_start3A_45 = tpu.memref_squeeze %dma_start3A_44 : memref<1x128x16xf32, #tpu.memory_space<vmem>> -> memref<128x16xf32, #tpu.memory_space<vmem>>
    %dma_start3A_46 = arith.constant 0 : i32
    %dma_start3A_47 = tpu.memref_slice %arg5[%dma_start3A_40, %dma_start3A_46] : memref<80x128xi32, #tpu.memory_space<vmem>> -> memref<1x128xi32, #tpu.memory_space<vmem>>
    %dma_start3A_48 = tpu.memref_squeeze %dma_start3A_47 : memref<1x128xi32, #tpu.memory_space<vmem>> -> memref<128xi32, #tpu.memory_space<vmem>>
    %dma_start3A_49 = arith.constant 0 : i32
    %dma_start3A_50 = arith.constant 0 : i32
    %dma_start3A_51 = tpu.memref_slice %arg3[%dma_start3A_49, %dma_start3A_50] : memref<1000000x16xf32, #tpu.memory_space<hbm>> -> memref<1000000x16xf32, #tpu.memory_space<hbm>>
    tpu.enqueue_indirect_dma source(%dma_start3A_51 : memref<1000000x16xf32, #tpu.memory_space<hbm>>) target(%dma_start3A_45 : memref<128x16xf32, #tpu.memory_space<vmem>>) offsets(%dma_start3A_48 : memref<128xi32, #tpu.memory_space<vmem>>) semaphore(%arg7 : memref<!tpu.dma_semaphore, #tpu.memory_space<semaphore_mem>>)
    %dma_start3A_52 = arith.constant 4 : i32
    %dma_start3A_53 = arith.constant 4 : i32
    %dma_start3A_54 = arith.constant 0 : i32
    %dma_start3A_55 = arith.constant 0 : i32
    %dma_start3A_56 = tpu.memref_slice %arg6[%dma_start3A_53, %dma_start3A_54, %dma_start3A_55] : memref<8x128x16xf32, #tpu.memory_space<vmem>> -> memref<1x128x16xf32, #tpu.memory_space<vmem>>
    %dma_start3A_57 = tpu.memref_squeeze %dma_start3A_56 : memref<1x128x16xf32, #tpu.memory_space<vmem>> -> memref<128x16xf32, #tpu.memory_space<vmem>>
    %dma_start3A_58 = arith.constant 0 : i32
    %dma_start3A_59 = tpu.memref_slice %arg5[%dma_start3A_52, %dma_start3A_58] : memref<80x128xi32, #tpu.memory_space<vmem>> -> memref<1x128xi32, #tpu.memory_space<vmem>>
    %dma_start3A_60 = tpu.memref_squeeze %dma_start3A_59 : memref<1x128xi32, #tpu.memory_space<vmem>> -> memref<128xi32, #tpu.memory_space<vmem>>
    %dma_start3A_61 = arith.constant 0 : i32
    %dma_start3A_62 = arith.constant 0 : i32
    %dma_start3A_63 = tpu.memref_slice %arg3[%dma_start3A_61, %dma_start3A_62] : memref<1000000x16xf32, #tpu.memory_space<hbm>> -> memref<1000000x16xf32, #tpu.memory_space<hbm>>
    tpu.enqueue_indirect_dma source(%dma_start3A_63 : memref<1000000x16xf32, #tpu.memory_space<hbm>>) target(%dma_start3A_57 : memref<128x16xf32, #tpu.memory_space<vmem>>) offsets(%dma_start3A_60 : memref<128xi32, #tpu.memory_space<vmem>>) semaphore(%arg7 : memref<!tpu.dma_semaphore, #tpu.memory_space<semaphore_mem>>)
    %dma_start3A_64 = arith.constant 5 : i32
    %dma_start3A_65 = arith.constant 5 : i32
    %dma_start3A_66 = arith.constant 0 : i32
    %dma_start3A_67 = arith.constant 0 : i32
    %dma_start3A_68 = tpu.memref_slice %arg6[%dma_start3A_65, %dma_start3A_66, %dma_start3A_67] : memref<8x128x16xf32, #tpu.memory_space<vmem>> -> memref<1x128x16xf32, #tpu.memory_space<vmem>>
    %dma_start3A_69 = tpu.memref_squeeze %dma_start3A_68 : memref<1x128x16xf32, #tpu.memory_space<vmem>> -> memref<128x16xf32, #tpu.memory_space<vmem>>
    %dma_start3A_70 = arith.constant 0 : i32
    %dma_start3A_71 = tpu.memref_slice %arg5[%dma_start3A_64, %dma_start3A_70] : memref<80x128xi32, #tpu.memory_space<vmem>> -> memref<1x128xi32, #tpu.memory_space<vmem>>
    %dma_start3A_72 = tpu.memref_squeeze %dma_start3A_71 : memref<1x128xi32, #tpu.memory_space<vmem>> -> memref<128xi32, #tpu.memory_space<vmem>>
    %dma_start3A_73 = arith.constant 0 : i32
    %dma_start3A_74 = arith.constant 0 : i32
    %dma_start3A_75 = tpu.memref_slice %arg3[%dma_start3A_73, %dma_start3A_74] : memref<1000000x16xf32, #tpu.memory_space<hbm>> -> memref<1000000x16xf32, #tpu.memory_space<hbm>>
    tpu.enqueue_indirect_dma source(%dma_start3A_75 : memref<1000000x16xf32, #tpu.memory_space<hbm>>) target(%dma_start3A_69 : memref<128x16xf32, #tpu.memory_space<vmem>>) offsets(%dma_start3A_72 : memref<128xi32, #tpu.memory_space<vmem>>) semaphore(%arg7 : memref<!tpu.dma_semaphore, #tpu.memory_space<semaphore_mem>>)
    %dma_start3A_76 = arith.constant 6 : i32
    %dma_start3A_77 = arith.constant 6 : i32
    %dma_start3A_78 = arith.constant 0 : i32
    %dma_start3A_79 = arith.constant 0 : i32
    %dma_start3A_80 = tpu.memref_slice %arg6[%dma_start3A_77, %dma_start3A_78, %dma_start3A_79] : memref<8x128x16xf32, #tpu.memory_space<vmem>> -> memref<1x128x16xf32, #tpu.memory_space<vmem>>
    %dma_start3A_81 = tpu.memref_squeeze %dma_start3A_80 : memref<1x128x16xf32, #tpu.memory_space<vmem>> -> memref<128x16xf32, #tpu.memory_space<vmem>>
    %dma_start3A_82 = arith.constant 0 : i32
    %dma_start3A_83 = tpu.memref_slice %arg5[%dma_start3A_76, %dma_start3A_82] : memref<80x128xi32, #tpu.memory_space<vmem>> -> memref<1x128xi32, #tpu.memory_space<vmem>>
    %dma_start3A_84 = tpu.memref_squeeze %dma_start3A_83 : memref<1x128xi32, #tpu.memory_space<vmem>> -> memref<128xi32, #tpu.memory_space<vmem>>
    %dma_start3A_85 = arith.constant 0 : i32
    %dma_start3A_86 = arith.constant 0 : i32
    %dma_start3A_87 = tpu.memref_slice %arg3[%dma_start3A_85, %dma_start3A_86] : memref<1000000x16xf32, #tpu.memory_space<hbm>> -> memref<1000000x16xf32, #tpu.memory_space<hbm>>
    tpu.enqueue_indirect_dma source(%dma_start3A_87 : memref<1000000x16xf32, #tpu.memory_space<hbm>>) target(%dma_start3A_81 : memref<128x16xf32, #tpu.memory_space<vmem>>) offsets(%dma_start3A_84 : memref<128xi32, #tpu.memory_space<vmem>>) semaphore(%arg7 : memref<!tpu.dma_semaphore, #tpu.memory_space<semaphore_mem>>)
    %dma_start3A_88 = arith.constant 7 : i32
    %dma_start3A_89 = arith.constant 7 : i32
    %dma_start3A_90 = arith.constant 0 : i32
    %dma_start3A_91 = arith.constant 0 : i32
    %dma_start3A_92 = tpu.memref_slice %arg6[%dma_start3A_89, %dma_start3A_90, %dma_start3A_91] : memref<8x128x16xf32, #tpu.memory_space<vmem>> -> memref<1x128x16xf32, #tpu.memory_space<vmem>>
    %dma_start3A_93 = tpu.memref_squeeze %dma_start3A_92 : memref<1x128x16xf32, #tpu.memory_space<vmem>> -> memref<128x16xf32, #tpu.memory_space<vmem>>
    %dma_start3A_94 = arith.constant 0 : i32
    %dma_start3A_95 = tpu.memref_slice %arg5[%dma_start3A_88, %dma_start3A_94] : memref<80x128xi32, #tpu.memory_space<vmem>> -> memref<1x128xi32, #tpu.memory_space<vmem>>
    %dma_start3A_96 = tpu.memref_squeeze %dma_start3A_95 : memref<1x128xi32, #tpu.memory_space<vmem>> -> memref<128xi32, #tpu.memory_space<vmem>>
    %dma_start3A_97 = arith.constant 0 : i32
    %dma_start3A_98 = arith.constant 0 : i32
    %dma_start3A_99 = tpu.memref_slice %arg3[%dma_start3A_97, %dma_start3A_98] : memref<1000000x16xf32, #tpu.memory_space<hbm>> -> memref<1000000x16xf32, #tpu.memory_space<hbm>>
    tpu.enqueue_indirect_dma source(%dma_start3A_99 : memref<1000000x16xf32, #tpu.memory_space<hbm>>) target(%dma_start3A_93 : memref<128x16xf32, #tpu.memory_space<vmem>>) offsets(%dma_start3A_96 : memref<128xi32, #tpu.memory_space<vmem>>) semaphore(%arg7 : memref<!tpu.dma_semaphore, #tpu.memory_space<semaphore_mem>>)
    %scan3A = arith.constant 0 : i32
    %scan3A_100 = arith.constant 0 : i32
    %scan3A_101 = arith.constant 10 : i32
    %scan3A_102 = arith.addi %scan3A_100, %scan3A_101 : i32
    %scan3A_103 = arith.constant 1 : i32
    scf.for %scan3A_105 = %scan3A_100 to %scan3A_102 step %scan3A_103  : i32 {
      %mul3A_106 = arith.constant 8 : i32
      %mul3A_107 = arith.muli %scan3A_105, %mul3A_106 : i32
      %add3A_108 = arith.constant 0 : i32
      %add3A_109 = arith.addi %mul3A_107, %add3A_108 : i32
      %dma_wait3A = arith.constant 0 : i32
      %dma_wait3A_110 = arith.constant 0 : i32
      %dma_wait3A_111 = arith.constant 0 : i32
      %dma_wait3A_112 = tpu.memref_slice %arg6[%dma_wait3A, %dma_wait3A_110, %dma_wait3A_111] : memref<8x128x16xf32, #tpu.memory_space<vmem>> -> memref<1x128x16xf32, #tpu.memory_space<vmem>>
      %dma_wait3A_113 = tpu.memref_squeeze %dma_wait3A_112 : memref<1x128x16xf32, #tpu.memory_space<vmem>> -> memref<128x16xf32, #tpu.memory_space<vmem>>
      %dma_wait3A_114 = arith.constant 0 : i32
      %dma_wait3A_115 = tpu.memref_slice %arg5[%add3A_109, %dma_wait3A_114] : memref<80x128xi32, #tpu.memory_space<vmem>> -> memref<1x128xi32, #tpu.memory_space<vmem>>
      %dma_wait3A_116 = tpu.memref_squeeze %dma_wait3A_115 : memref<1x128xi32, #tpu.memory_space<vmem>> -> memref<128xi32, #tpu.memory_space<vmem>>
      %dma_wait3A_117 = arith.constant 0 : i32
      %dma_wait3A_118 = arith.constant 0 : i32
      %dma_wait3A_119 = tpu.memref_slice %arg3[%dma_wait3A_117, %dma_wait3A_118] : memref<1000000x16xf32, #tpu.memory_space<hbm>> -> memref<1000000x16xf32, #tpu.memory_space<hbm>>
      tpu.wait_indirect_dma semaphore(%arg7 : memref<!tpu.dma_semaphore, #tpu.memory_space<semaphore_mem>>) src(%dma_wait3A_119 : memref<1000000x16xf32, #tpu.memory_space<hbm>>) dst(%dma_wait3A_113 : memref<128x16xf32, #tpu.memory_space<vmem>>)
      %add3A_120 = arith.constant 0 : i32
      %add3A_121 = arith.addi %mul3A_107, %add3A_120 : i32
      %mul3A_122 = arith.constant 128 : i32
      %mul3A_123 = arith.muli %add3A_121, %mul3A_122 : i32
      %add3A_124 = arith.addi %mul3A_2, %mul3A_123 : i32
      %dma_start3A_125 = arith.constant 0 : i32
      %dma_start3A_126 = arith.constant 0 : i32
      %dma_start3A_127 = arith.constant 0 : i32
      %dma_start3A_128 = tpu.memref_slice %arg6[%dma_start3A_125, %dma_start3A_126, %dma_start3A_127] : memref<8x128x16xf32, #tpu.memory_space<vmem>> -> memref<1x128x16xf32, #tpu.memory_space<vmem>>
      %dma_start3A_129 = tpu.memref_squeeze %dma_start3A_128 : memref<1x128x16xf32, #tpu.memory_space<vmem>> -> memref<128x16xf32, #tpu.memory_space<vmem>>
      %dma_start3A_130 = arith.constant 0 : i32
      %dma_start3A_131 = tpu.memref_slice %arg4[%add3A_124, %dma_start3A_130] : memref<327680x16xf32, #tpu.memory_space<hbm>> -> memref<128x16xf32, #tpu.memory_space<hbm>>
      %dma_start3A_132 = arith.constant 0 : i32
      %dma_start3A_133 = tpu.memref_slice %arg4[%add3A_124, %dma_start3A_132] : memref<327680x16xf32, #tpu.memory_space<hbm>> -> memref<128x16xf32, #tpu.memory_space<hbm>>
      %dma_start3A_134 = arith.constant 0 : i32
      %dma_start3A_135 = arith.constant 0 : i32
      %dma_start3A_136 = tpu.memref_slice %arg6[%dma_start3A_125, %dma_start3A_134, %dma_start3A_135] : memref<8x128x16xf32, #tpu.memory_space<vmem>> -> memref<1x128x16xf32, #tpu.memory_space<vmem>>
      %dma_start3A_137 = tpu.memref_squeeze %dma_start3A_136 : memref<1x128x16xf32, #tpu.memory_space<vmem>> -> memref<128x16xf32, #tpu.memory_space<vmem>>
      tpu.enqueue_dma source(%dma_start3A_137 : memref<128x16xf32, #tpu.memory_space<vmem>>) target(%dma_start3A_133 : memref<128x16xf32, #tpu.memory_space<hbm>>) target_semaphore(%arg8 : memref<!tpu.dma_semaphore, #tpu.memory_space<semaphore_mem>>)
      %add3A_138 = arith.constant 1 : i32
      %add3A_139 = arith.addi %mul3A_107, %add3A_138 : i32
      %dma_wait3A_140 = arith.constant 1 : i32
      %dma_wait3A_141 = arith.constant 0 : i32
      %dma_wait3A_142 = arith.constant 0 : i32
      %dma_wait3A_143 = tpu.memref_slice %arg6[%dma_wait3A_140, %dma_wait3A_141, %dma_wait3A_142] : memref<8x128x16xf32, #tpu.memory_space<vmem>> -> memref<1x128x16xf32, #tpu.memory_space<vmem>>
      %dma_wait3A_144 = tpu.memref_squeeze %dma_wait3A_143 : memref<1x128x16xf32, #tpu.memory_space<vmem>> -> memref<128x16xf32, #tpu.memory_space<vmem>>
      %dma_wait3A_145 = arith.constant 0 : i32
      %dma_wait3A_146 = tpu.memref_slice %arg5[%add3A_139, %dma_wait3A_145] : memref<80x128xi32, #tpu.memory_space<vmem>> -> memref<1x128xi32, #tpu.memory_space<vmem>>
      %dma_wait3A_147 = tpu.memref_squeeze %dma_wait3A_146 : memref<1x128xi32, #tpu.memory_space<vmem>> -> memref<128xi32, #tpu.memory_space<vmem>>
      %dma_wait3A_148 = arith.constant 0 : i32
      %dma_wait3A_149 = arith.constant 0 : i32
      %dma_wait3A_150 = tpu.memref_slice %arg3[%dma_wait3A_148, %dma_wait3A_149] : memref<1000000x16xf32, #tpu.memory_space<hbm>> -> memref<1000000x16xf32, #tpu.memory_space<hbm>>
      tpu.wait_indirect_dma semaphore(%arg7 : memref<!tpu.dma_semaphore, #tpu.memory_space<semaphore_mem>>) src(%dma_wait3A_150 : memref<1000000x16xf32, #tpu.memory_space<hbm>>) dst(%dma_wait3A_144 : memref<128x16xf32, #tpu.memory_space<vmem>>)
      %add3A_151 = arith.constant 1 : i32
      %add3A_152 = arith.addi %mul3A_107, %add3A_151 : i32
      %mul3A_153 = arith.constant 128 : i32
      %mul3A_154 = arith.muli %add3A_152, %mul3A_153 : i32
      %add3A_155 = arith.addi %mul3A_2, %mul3A_154 : i32
      %dma_start3A_156 = arith.constant 1 : i32
      %dma_start3A_157 = arith.constant 0 : i32
      %dma_start3A_158 = arith.constant 0 : i32
      %dma_start3A_159 = tpu.memref_slice %arg6[%dma_start3A_156, %dma_start3A_157, %dma_start3A_158] : memref<8x128x16xf32, #tpu.memory_space<vmem>> -> memref<1x128x16xf32, #tpu.memory_space<vmem>>
      %dma_start3A_160 = tpu.memref_squeeze %dma_start3A_159 : memref<1x128x16xf32, #tpu.memory_space<vmem>> -> memref<128x16xf32, #tpu.memory_space<vmem>>
      %dma_start3A_161 = arith.constant 0 : i32
      %dma_start3A_162 = tpu.memref_slice %arg4[%add3A_155, %dma_start3A_161] : memref<327680x16xf32, #tpu.memory_space<hbm>> -> memref<128x16xf32, #tpu.memory_space<hbm>>
      %dma_start3A_163 = arith.constant 0 : i32
      %dma_start3A_164 = tpu.memref_slice %arg4[%add3A_155, %dma_start3A_163] : memref<327680x16xf32, #tpu.memory_space<hbm>> -> memref<128x16xf32, #tpu.memory_space<hbm>>
      %dma_start3A_165 = arith.constant 0 : i32
      %dma_start3A_166 = arith.constant 0 : i32
      %dma_start3A_167 = tpu.memref_slice %arg6[%dma_start3A_156, %dma_start3A_165, %dma_start3A_166] : memref<8x128x16xf32, #tpu.memory_space<vmem>> -> memref<1x128x16xf32, #tpu.memory_space<vmem>>
      %dma_start3A_168 = tpu.memref_squeeze %dma_start3A_167 : memref<1x128x16xf32, #tpu.memory_space<vmem>> -> memref<128x16xf32, #tpu.memory_space<vmem>>
      tpu.enqueue_dma source(%dma_start3A_168 : memref<128x16xf32, #tpu.memory_space<vmem>>) target(%dma_start3A_164 : memref<128x16xf32, #tpu.memory_space<hbm>>) target_semaphore(%arg8 : memref<!tpu.dma_semaphore, #tpu.memory_space<semaphore_mem>>)
      %add3A_169 = arith.constant 2 : i32
      %add3A_170 = arith.addi %mul3A_107, %add3A_169 : i32
      %dma_wait3A_171 = arith.constant 2 : i32
      %dma_wait3A_172 = arith.constant 0 : i32
      %dma_wait3A_173 = arith.constant 0 : i32
      %dma_wait3A_174 = tpu.memref_slice %arg6[%dma_wait3A_171, %dma_wait3A_172, %dma_wait3A_173] : memref<8x128x16xf32, #tpu.memory_space<vmem>> -> memref<1x128x16xf32, #tpu.memory_space<vmem>>
      %dma_wait3A_175 = tpu.memref_squeeze %dma_wait3A_174 : memref<1x128x16xf32, #tpu.memory_space<vmem>> -> memref<128x16xf32, #tpu.memory_space<vmem>>
      %dma_wait3A_176 = arith.constant 0 : i32
      %dma_wait3A_177 = tpu.memref_slice %arg5[%add3A_170, %dma_wait3A_176] : memref<80x128xi32, #tpu.memory_space<vmem>> -> memref<1x128xi32, #tpu.memory_space<vmem>>
      %dma_wait3A_178 = tpu.memref_squeeze %dma_wait3A_177 : memref<1x128xi32, #tpu.memory_space<vmem>> -> memref<128xi32, #tpu.memory_space<vmem>>
      %dma_wait3A_179 = arith.constant 0 : i32
      %dma_wait3A_180 = arith.constant 0 : i32
      %dma_wait3A_181 = tpu.memref_slice %arg3[%dma_wait3A_179, %dma_wait3A_180] : memref<1000000x16xf32, #tpu.memory_space<hbm>> -> memref<1000000x16xf32, #tpu.memory_space<hbm>>
      tpu.wait_indirect_dma semaphore(%arg7 : memref<!tpu.dma_semaphore, #tpu.memory_space<semaphore_mem>>) src(%dma_wait3A_181 : memref<1000000x16xf32, #tpu.memory_space<hbm>>) dst(%dma_wait3A_175 : memref<128x16xf32, #tpu.memory_space<vmem>>)
      %add3A_182 = arith.constant 2 : i32
      %add3A_183 = arith.addi %mul3A_107, %add3A_182 : i32
      %mul3A_184 = arith.constant 128 : i32
      %mul3A_185 = arith.muli %add3A_183, %mul3A_184 : i32
      %add3A_186 = arith.addi %mul3A_2, %mul3A_185 : i32
      %dma_start3A_187 = arith.constant 2 : i32
      %dma_start3A_188 = arith.constant 0 : i32
      %dma_start3A_189 = arith.constant 0 : i32
      %dma_start3A_190 = tpu.memref_slice %arg6[%dma_start3A_187, %dma_start3A_188, %dma_start3A_189] : memref<8x128x16xf32, #tpu.memory_space<vmem>> -> memref<1x128x16xf32, #tpu.memory_space<vmem>>
      %dma_start3A_191 = tpu.memref_squeeze %dma_start3A_190 : memref<1x128x16xf32, #tpu.memory_space<vmem>> -> memref<128x16xf32, #tpu.memory_space<vmem>>
      %dma_start3A_192 = arith.constant 0 : i32
      %dma_start3A_193 = tpu.memref_slice %arg4[%add3A_186, %dma_start3A_192] : memref<327680x16xf32, #tpu.memory_space<hbm>> -> memref<128x16xf32, #tpu.memory_space<hbm>>
      %dma_start3A_194 = arith.constant 0 : i32
      %dma_start3A_195 = tpu.memref_slice %arg4[%add3A_186, %dma_start3A_194] : memref<327680x16xf32, #tpu.memory_space<hbm>> -> memref<128x16xf32, #tpu.memory_space<hbm>>
      %dma_start3A_196 = arith.constant 0 : i32
      %dma_start3A_197 = arith.constant 0 : i32
      %dma_start3A_198 = tpu.memref_slice %arg6[%dma_start3A_187, %dma_start3A_196, %dma_start3A_197] : memref<8x128x16xf32, #tpu.memory_space<vmem>> -> memref<1x128x16xf32, #tpu.memory_space<vmem>>
      %dma_start3A_199 = tpu.memref_squeeze %dma_start3A_198 : memref<1x128x16xf32, #tpu.memory_space<vmem>> -> memref<128x16xf32, #tpu.memory_space<vmem>>
      tpu.enqueue_dma source(%dma_start3A_199 : memref<128x16xf32, #tpu.memory_space<vmem>>) target(%dma_start3A_195 : memref<128x16xf32, #tpu.memory_space<hbm>>) target_semaphore(%arg8 : memref<!tpu.dma_semaphore, #tpu.memory_space<semaphore_mem>>)
      %add3A_200 = arith.constant 3 : i32
      %add3A_201 = arith.addi %mul3A_107, %add3A_200 : i32
      %dma_wait3A_202 = arith.constant 3 : i32
      %dma_wait3A_203 = arith.constant 0 : i32
      %dma_wait3A_204 = arith.constant 0 : i32
      %dma_wait3A_205 = tpu.memref_slice %arg6[%dma_wait3A_202, %dma_wait3A_203, %dma_wait3A_204] : memref<8x128x16xf32, #tpu.memory_space<vmem>> -> memref<1x128x16xf32, #tpu.memory_space<vmem>>
      %dma_wait3A_206 = tpu.memref_squeeze %dma_wait3A_205 : memref<1x128x16xf32, #tpu.memory_space<vmem>> -> memref<128x16xf32, #tpu.memory_space<vmem>>
      %dma_wait3A_207 = arith.constant 0 : i32
      %dma_wait3A_208 = tpu.memref_slice %arg5[%add3A_201, %dma_wait3A_207] : memref<80x128xi32, #tpu.memory_space<vmem>> -> memref<1x128xi32, #tpu.memory_space<vmem>>
      %dma_wait3A_209 = tpu.memref_squeeze %dma_wait3A_208 : memref<1x128xi32, #tpu.memory_space<vmem>> -> memref<128xi32, #tpu.memory_space<vmem>>
      %dma_wait3A_210 = arith.constant 0 : i32
      %dma_wait3A_211 = arith.constant 0 : i32
      %dma_wait3A_212 = tpu.memref_slice %arg3[%dma_wait3A_210, %dma_wait3A_211] : memref<1000000x16xf32, #tpu.memory_space<hbm>> -> memref<1000000x16xf32, #tpu.memory_space<hbm>>
      tpu.wait_indirect_dma semaphore(%arg7 : memref<!tpu.dma_semaphore, #tpu.memory_space<semaphore_mem>>) src(%dma_wait3A_212 : memref<1000000x16xf32, #tpu.memory_space<hbm>>) dst(%dma_wait3A_206 : memref<128x16xf32, #tpu.memory_space<vmem>>)
      %add3A_213 = arith.constant 3 : i32
      %add3A_214 = arith.addi %mul3A_107, %add3A_213 : i32
      %mul3A_215 = arith.constant 128 : i32
      %mul3A_216 = arith.muli %add3A_214, %mul3A_215 : i32
      %add3A_217 = arith.addi %mul3A_2, %mul3A_216 : i32
      %dma_start3A_218 = arith.constant 3 : i32
      %dma_start3A_219 = arith.constant 0 : i32
      %dma_start3A_220 = arith.constant 0 : i32
      %dma_start3A_221 = tpu.memref_slice %arg6[%dma_start3A_218, %dma_start3A_219, %dma_start3A_220] : memref<8x128x16xf32, #tpu.memory_space<vmem>> -> memref<1x128x16xf32, #tpu.memory_space<vmem>>
      %dma_start3A_222 = tpu.memref_squeeze %dma_start3A_221 : memref<1x128x16xf32, #tpu.memory_space<vmem>> -> memref<128x16xf32, #tpu.memory_space<vmem>>
      %dma_start3A_223 = arith.constant 0 : i32
      %dma_start3A_224 = tpu.memref_slice %arg4[%add3A_217, %dma_start3A_223] : memref<327680x16xf32, #tpu.memory_space<hbm>> -> memref<128x16xf32, #tpu.memory_space<hbm>>
      %dma_start3A_225 = arith.constant 0 : i32
      %dma_start3A_226 = tpu.memref_slice %arg4[%add3A_217, %dma_start3A_225] : memref<327680x16xf32, #tpu.memory_space<hbm>> -> memref<128x16xf32, #tpu.memory_space<hbm>>
      %dma_start3A_227 = arith.constant 0 : i32
      %dma_start3A_228 = arith.constant 0 : i32
      %dma_start3A_229 = tpu.memref_slice %arg6[%dma_start3A_218, %dma_start3A_227, %dma_start3A_228] : memref<8x128x16xf32, #tpu.memory_space<vmem>> -> memref<1x128x16xf32, #tpu.memory_space<vmem>>
      %dma_start3A_230 = tpu.memref_squeeze %dma_start3A_229 : memref<1x128x16xf32, #tpu.memory_space<vmem>> -> memref<128x16xf32, #tpu.memory_space<vmem>>
      tpu.enqueue_dma source(%dma_start3A_230 : memref<128x16xf32, #tpu.memory_space<vmem>>) target(%dma_start3A_226 : memref<128x16xf32, #tpu.memory_space<hbm>>) target_semaphore(%arg8 : memref<!tpu.dma_semaphore, #tpu.memory_space<semaphore_mem>>)
      %add3A_231 = arith.constant 4 : i32
      %add3A_232 = arith.addi %mul3A_107, %add3A_231 : i32
      %dma_wait3A_233 = arith.constant 4 : i32
      %dma_wait3A_234 = arith.constant 0 : i32
      %dma_wait3A_235 = arith.constant 0 : i32
      %dma_wait3A_236 = tpu.memref_slice %arg6[%dma_wait3A_233, %dma_wait3A_234, %dma_wait3A_235] : memref<8x128x16xf32, #tpu.memory_space<vmem>> -> memref<1x128x16xf32, #tpu.memory_space<vmem>>
      %dma_wait3A_237 = tpu.memref_squeeze %dma_wait3A_236 : memref<1x128x16xf32, #tpu.memory_space<vmem>> -> memref<128x16xf32, #tpu.memory_space<vmem>>
      %dma_wait3A_238 = arith.constant 0 : i32
      %dma_wait3A_239 = tpu.memref_slice %arg5[%add3A_232, %dma_wait3A_238] : memref<80x128xi32, #tpu.memory_space<vmem>> -> memref<1x128xi32, #tpu.memory_space<vmem>>
      %dma_wait3A_240 = tpu.memref_squeeze %dma_wait3A_239 : memref<1x128xi32, #tpu.memory_space<vmem>> -> memref<128xi32, #tpu.memory_space<vmem>>
      %dma_wait3A_241 = arith.constant 0 : i32
      %dma_wait3A_242 = arith.constant 0 : i32
      %dma_wait3A_243 = tpu.memref_slice %arg3[%dma_wait3A_241, %dma_wait3A_242] : memref<1000000x16xf32, #tpu.memory_space<hbm>> -> memref<1000000x16xf32, #tpu.memory_space<hbm>>
      tpu.wait_indirect_dma semaphore(%arg7 : memref<!tpu.dma_semaphore, #tpu.memory_space<semaphore_mem>>) src(%dma_wait3A_243 : memref<1000000x16xf32, #tpu.memory_space<hbm>>) dst(%dma_wait3A_237 : memref<128x16xf32, #tpu.memory_space<vmem>>)
      %add3A_244 = arith.constant 4 : i32
      %add3A_245 = arith.addi %mul3A_107, %add3A_244 : i32
      %mul3A_246 = arith.constant 128 : i32
      %mul3A_247 = arith.muli %add3A_245, %mul3A_246 : i32
      %add3A_248 = arith.addi %mul3A_2, %mul3A_247 : i32
      %dma_start3A_249 = arith.constant 4 : i32
      %dma_start3A_250 = arith.constant 0 : i32
      %dma_start3A_251 = arith.constant 0 : i32
      %dma_start3A_252 = tpu.memref_slice %arg6[%dma_start3A_249, %dma_start3A_250, %dma_start3A_251] : memref<8x128x16xf32, #tpu.memory_space<vmem>> -> memref<1x128x16xf32, #tpu.memory_space<vmem>>
      %dma_start3A_253 = tpu.memref_squeeze %dma_start3A_252 : memref<1x128x16xf32, #tpu.memory_space<vmem>> -> memref<128x16xf32, #tpu.memory_space<vmem>>
      %dma_start3A_254 = arith.constant 0 : i32
      %dma_start3A_255 = tpu.memref_slice %arg4[%add3A_248, %dma_start3A_254] : memref<327680x16xf32, #tpu.memory_space<hbm>> -> memref<128x16xf32, #tpu.memory_space<hbm>>
      %dma_start3A_256 = arith.constant 0 : i32
      %dma_start3A_257 = tpu.memref_slice %arg4[%add3A_248, %dma_start3A_256] : memref<327680x16xf32, #tpu.memory_space<hbm>> -> memref<128x16xf32, #tpu.memory_space<hbm>>
      %dma_start3A_258 = arith.constant 0 : i32
      %dma_start3A_259 = arith.constant 0 : i32
      %dma_start3A_260 = tpu.memref_slice %arg6[%dma_start3A_249, %dma_start3A_258, %dma_start3A_259] : memref<8x128x16xf32, #tpu.memory_space<vmem>> -> memref<1x128x16xf32, #tpu.memory_space<vmem>>
      %dma_start3A_261 = tpu.memref_squeeze %dma_start3A_260 : memref<1x128x16xf32, #tpu.memory_space<vmem>> -> memref<128x16xf32, #tpu.memory_space<vmem>>
      tpu.enqueue_dma source(%dma_start3A_261 : memref<128x16xf32, #tpu.memory_space<vmem>>) target(%dma_start3A_257 : memref<128x16xf32, #tpu.memory_space<hbm>>) target_semaphore(%arg8 : memref<!tpu.dma_semaphore, #tpu.memory_space<semaphore_mem>>)
      %add3A_262 = arith.constant 5 : i32
      %add3A_263 = arith.addi %mul3A_107, %add3A_262 : i32
      %dma_wait3A_264 = arith.constant 5 : i32
      %dma_wait3A_265 = arith.constant 0 : i32
      %dma_wait3A_266 = arith.constant 0 : i32
      %dma_wait3A_267 = tpu.memref_slice %arg6[%dma_wait3A_264, %dma_wait3A_265, %dma_wait3A_266] : memref<8x128x16xf32, #tpu.memory_space<vmem>> -> memref<1x128x16xf32, #tpu.memory_space<vmem>>
      %dma_wait3A_268 = tpu.memref_squeeze %dma_wait3A_267 : memref<1x128x16xf32, #tpu.memory_space<vmem>> -> memref<128x16xf32, #tpu.memory_space<vmem>>
      %dma_wait3A_269 = arith.constant 0 : i32
      %dma_wait3A_270 = tpu.memref_slice %arg5[%add3A_263, %dma_wait3A_269] : memref<80x128xi32, #tpu.memory_space<vmem>> -> memref<1x128xi32, #tpu.memory_space<vmem>>
      %dma_wait3A_271 = tpu.memref_squeeze %dma_wait3A_270 : memref<1x128xi32, #tpu.memory_space<vmem>> -> memref<128xi32, #tpu.memory_space<vmem>>
      %dma_wait3A_272 = arith.constant 0 : i32
      %dma_wait3A_273 = arith.constant 0 : i32
      %dma_wait3A_274 = tpu.memref_slice %arg3[%dma_wait3A_272, %dma_wait3A_273] : memref<1000000x16xf32, #tpu.memory_space<hbm>> -> memref<1000000x16xf32, #tpu.memory_space<hbm>>
      tpu.wait_indirect_dma semaphore(%arg7 : memref<!tpu.dma_semaphore, #tpu.memory_space<semaphore_mem>>) src(%dma_wait3A_274 : memref<1000000x16xf32, #tpu.memory_space<hbm>>) dst(%dma_wait3A_268 : memref<128x16xf32, #tpu.memory_space<vmem>>)
      %add3A_275 = arith.constant 5 : i32
      %add3A_276 = arith.addi %mul3A_107, %add3A_275 : i32
      %mul3A_277 = arith.constant 128 : i32
      %mul3A_278 = arith.muli %add3A_276, %mul3A_277 : i32
      %add3A_279 = arith.addi %mul3A_2, %mul3A_278 : i32
      %dma_start3A_280 = arith.constant 5 : i32
      %dma_start3A_281 = arith.constant 0 : i32
      %dma_start3A_282 = arith.constant 0 : i32
      %dma_start3A_283 = tpu.memref_slice %arg6[%dma_start3A_280, %dma_start3A_281, %dma_start3A_282] : memref<8x128x16xf32, #tpu.memory_space<vmem>> -> memref<1x128x16xf32, #tpu.memory_space<vmem>>
      %dma_start3A_284 = tpu.memref_squeeze %dma_start3A_283 : memref<1x128x16xf32, #tpu.memory_space<vmem>> -> memref<128x16xf32, #tpu.memory_space<vmem>>
      %dma_start3A_285 = arith.constant 0 : i32
      %dma_start3A_286 = tpu.memref_slice %arg4[%add3A_279, %dma_start3A_285] : memref<327680x16xf32, #tpu.memory_space<hbm>> -> memref<128x16xf32, #tpu.memory_space<hbm>>
      %dma_start3A_287 = arith.constant 0 : i32
      %dma_start3A_288 = tpu.memref_slice %arg4[%add3A_279, %dma_start3A_287] : memref<327680x16xf32, #tpu.memory_space<hbm>> -> memref<128x16xf32, #tpu.memory_space<hbm>>
      %dma_start3A_289 = arith.constant 0 : i32
      %dma_start3A_290 = arith.constant 0 : i32
      %dma_start3A_291 = tpu.memref_slice %arg6[%dma_start3A_280, %dma_start3A_289, %dma_start3A_290] : memref<8x128x16xf32, #tpu.memory_space<vmem>> -> memref<1x128x16xf32, #tpu.memory_space<vmem>>
      %dma_start3A_292 = tpu.memref_squeeze %dma_start3A_291 : memref<1x128x16xf32, #tpu.memory_space<vmem>> -> memref<128x16xf32, #tpu.memory_space<vmem>>
      tpu.enqueue_dma source(%dma_start3A_292 : memref<128x16xf32, #tpu.memory_space<vmem>>) target(%dma_start3A_288 : memref<128x16xf32, #tpu.memory_space<hbm>>) target_semaphore(%arg8 : memref<!tpu.dma_semaphore, #tpu.memory_space<semaphore_mem>>)
      %add3A_293 = arith.constant 6 : i32
      %add3A_294 = arith.addi %mul3A_107, %add3A_293 : i32
      %dma_wait3A_295 = arith.constant 6 : i32
      %dma_wait3A_296 = arith.constant 0 : i32
      %dma_wait3A_297 = arith.constant 0 : i32
      %dma_wait3A_298 = tpu.memref_slice %arg6[%dma_wait3A_295, %dma_wait3A_296, %dma_wait3A_297] : memref<8x128x16xf32, #tpu.memory_space<vmem>> -> memref<1x128x16xf32, #tpu.memory_space<vmem>>
      %dma_wait3A_299 = tpu.memref_squeeze %dma_wait3A_298 : memref<1x128x16xf32, #tpu.memory_space<vmem>> -> memref<128x16xf32, #tpu.memory_space<vmem>>
      %dma_wait3A_300 = arith.constant 0 : i32
      %dma_wait3A_301 = tpu.memref_slice %arg5[%add3A_294, %dma_wait3A_300] : memref<80x128xi32, #tpu.memory_space<vmem>> -> memref<1x128xi32, #tpu.memory_space<vmem>>
      %dma_wait3A_302 = tpu.memref_squeeze %dma_wait3A_301 : memref<1x128xi32, #tpu.memory_space<vmem>> -> memref<128xi32, #tpu.memory_space<vmem>>
      %dma_wait3A_303 = arith.constant 0 : i32
      %dma_wait3A_304 = arith.constant 0 : i32
      %dma_wait3A_305 = tpu.memref_slice %arg3[%dma_wait3A_303, %dma_wait3A_304] : memref<1000000x16xf32, #tpu.memory_space<hbm>> -> memref<1000000x16xf32, #tpu.memory_space<hbm>>
      tpu.wait_indirect_dma semaphore(%arg7 : memref<!tpu.dma_semaphore, #tpu.memory_space<semaphore_mem>>) src(%dma_wait3A_305 : memref<1000000x16xf32, #tpu.memory_space<hbm>>) dst(%dma_wait3A_299 : memref<128x16xf32, #tpu.memory_space<vmem>>)
      %add3A_306 = arith.constant 6 : i32
      %add3A_307 = arith.addi %mul3A_107, %add3A_306 : i32
      %mul3A_308 = arith.constant 128 : i32
      %mul3A_309 = arith.muli %add3A_307, %mul3A_308 : i32
      %add3A_310 = arith.addi %mul3A_2, %mul3A_309 : i32
      %dma_start3A_311 = arith.constant 6 : i32
      %dma_start3A_312 = arith.constant 0 : i32
      %dma_start3A_313 = arith.constant 0 : i32
      %dma_start3A_314 = tpu.memref_slice %arg6[%dma_start3A_311, %dma_start3A_312, %dma_start3A_313] : memref<8x128x16xf32, #tpu.memory_space<vmem>> -> memref<1x128x16xf32, #tpu.memory_space<vmem>>
      %dma_start3A_315 = tpu.memref_squeeze %dma_start3A_314 : memref<1x128x16xf32, #tpu.memory_space<vmem>> -> memref<128x16xf32, #tpu.memory_space<vmem>>
      %dma_start3A_316 = arith.constant 0 : i32
      %dma_start3A_317 = tpu.memref_slice %arg4[%add3A_310, %dma_start3A_316] : memref<327680x16xf32, #tpu.memory_space<hbm>> -> memref<128x16xf32, #tpu.memory_space<hbm>>
      %dma_start3A_318 = arith.constant 0 : i32
      %dma_start3A_319 = tpu.memref_slice %arg4[%add3A_310, %dma_start3A_318] : memref<327680x16xf32, #tpu.memory_space<hbm>> -> memref<128x16xf32, #tpu.memory_space<hbm>>
      %dma_start3A_320 = arith.constant 0 : i32
      %dma_start3A_321 = arith.constant 0 : i32
      %dma_start3A_322 = tpu.memref_slice %arg6[%dma_start3A_311, %dma_start3A_320, %dma_start3A_321] : memref<8x128x16xf32, #tpu.memory_space<vmem>> -> memref<1x128x16xf32, #tpu.memory_space<vmem>>
      %dma_start3A_323 = tpu.memref_squeeze %dma_start3A_322 : memref<1x128x16xf32, #tpu.memory_space<vmem>> -> memref<128x16xf32, #tpu.memory_space<vmem>>
      tpu.enqueue_dma source(%dma_start3A_323 : memref<128x16xf32, #tpu.memory_space<vmem>>) target(%dma_start3A_319 : memref<128x16xf32, #tpu.memory_space<hbm>>) target_semaphore(%arg8 : memref<!tpu.dma_semaphore, #tpu.memory_space<semaphore_mem>>)
      %add3A_324 = arith.constant 7 : i32
      %add3A_325 = arith.addi %mul3A_107, %add3A_324 : i32
      %dma_wait3A_326 = arith.constant 7 : i32
      %dma_wait3A_327 = arith.constant 0 : i32
      %dma_wait3A_328 = arith.constant 0 : i32
      %dma_wait3A_329 = tpu.memref_slice %arg6[%dma_wait3A_326, %dma_wait3A_327, %dma_wait3A_328] : memref<8x128x16xf32, #tpu.memory_space<vmem>> -> memref<1x128x16xf32, #tpu.memory_space<vmem>>
      %dma_wait3A_330 = tpu.memref_squeeze %dma_wait3A_329 : memref<1x128x16xf32, #tpu.memory_space<vmem>> -> memref<128x16xf32, #tpu.memory_space<vmem>>
      %dma_wait3A_331 = arith.constant 0 : i32
      %dma_wait3A_332 = tpu.memref_slice %arg5[%add3A_325, %dma_wait3A_331] : memref<80x128xi32, #tpu.memory_space<vmem>> -> memref<1x128xi32, #tpu.memory_space<vmem>>
      %dma_wait3A_333 = tpu.memref_squeeze %dma_wait3A_332 : memref<1x128xi32, #tpu.memory_space<vmem>> -> memref<128xi32, #tpu.memory_space<vmem>>
      %dma_wait3A_334 = arith.constant 0 : i32
      %dma_wait3A_335 = arith.constant 0 : i32
      %dma_wait3A_336 = tpu.memref_slice %arg3[%dma_wait3A_334, %dma_wait3A_335] : memref<1000000x16xf32, #tpu.memory_space<hbm>> -> memref<1000000x16xf32, #tpu.memory_space<hbm>>
      tpu.wait_indirect_dma semaphore(%arg7 : memref<!tpu.dma_semaphore, #tpu.memory_space<semaphore_mem>>) src(%dma_wait3A_336 : memref<1000000x16xf32, #tpu.memory_space<hbm>>) dst(%dma_wait3A_330 : memref<128x16xf32, #tpu.memory_space<vmem>>)
      %add3A_337 = arith.constant 7 : i32
      %add3A_338 = arith.addi %mul3A_107, %add3A_337 : i32
      %mul3A_339 = arith.constant 128 : i32
      %mul3A_340 = arith.muli %add3A_338, %mul3A_339 : i32
      %add3A_341 = arith.addi %mul3A_2, %mul3A_340 : i32
      %dma_start3A_342 = arith.constant 7 : i32
      %dma_start3A_343 = arith.constant 0 : i32
      %dma_start3A_344 = arith.constant 0 : i32
      %dma_start3A_345 = tpu.memref_slice %arg6[%dma_start3A_342, %dma_start3A_343, %dma_start3A_344] : memref<8x128x16xf32, #tpu.memory_space<vmem>> -> memref<1x128x16xf32, #tpu.memory_space<vmem>>
      %dma_start3A_346 = tpu.memref_squeeze %dma_start3A_345 : memref<1x128x16xf32, #tpu.memory_space<vmem>> -> memref<128x16xf32, #tpu.memory_space<vmem>>
      %dma_start3A_347 = arith.constant 0 : i32
      %dma_start3A_348 = tpu.memref_slice %arg4[%add3A_341, %dma_start3A_347] : memref<327680x16xf32, #tpu.memory_space<hbm>> -> memref<128x16xf32, #tpu.memory_space<hbm>>
      %dma_start3A_349 = arith.constant 0 : i32
      %dma_start3A_350 = tpu.memref_slice %arg4[%add3A_341, %dma_start3A_349] : memref<327680x16xf32, #tpu.memory_space<hbm>> -> memref<128x16xf32, #tpu.memory_space<hbm>>
      %dma_start3A_351 = arith.constant 0 : i32
      %dma_start3A_352 = arith.constant 0 : i32
      %dma_start3A_353 = tpu.memref_slice %arg6[%dma_start3A_342, %dma_start3A_351, %dma_start3A_352] : memref<8x128x16xf32, #tpu.memory_space<vmem>> -> memref<1x128x16xf32, #tpu.memory_space<vmem>>
      %dma_start3A_354 = tpu.memref_squeeze %dma_start3A_353 : memref<1x128x16xf32, #tpu.memory_space<vmem>> -> memref<128x16xf32, #tpu.memory_space<vmem>>
      tpu.enqueue_dma source(%dma_start3A_354 : memref<128x16xf32, #tpu.memory_space<vmem>>) target(%dma_start3A_350 : memref<128x16xf32, #tpu.memory_space<hbm>>) target_semaphore(%arg8 : memref<!tpu.dma_semaphore, #tpu.memory_space<semaphore_mem>>)
      %add3A_355 = arith.constant 0 : i32
      %add3A_356 = arith.addi %mul3A_107, %add3A_355 : i32
      %mul3A_357 = arith.constant 128 : i32
      %mul3A_358 = arith.muli %add3A_356, %mul3A_357 : i32
      %add3A_359 = arith.addi %mul3A_2, %mul3A_358 : i32
      %dma_wait3A_360 = arith.constant 0 : i32
      %dma_wait3A_361 = arith.constant 0 : i32
      %dma_wait3A_362 = arith.constant 0 : i32
      %dma_wait3A_363 = tpu.memref_slice %arg6[%dma_wait3A_360, %dma_wait3A_361, %dma_wait3A_362] : memref<8x128x16xf32, #tpu.memory_space<vmem>> -> memref<1x128x16xf32, #tpu.memory_space<vmem>>
      %dma_wait3A_364 = tpu.memref_squeeze %dma_wait3A_363 : memref<1x128x16xf32, #tpu.memory_space<vmem>> -> memref<128x16xf32, #tpu.memory_space<vmem>>
      %dma_wait3A_365 = arith.constant 0 : i32
      %dma_wait3A_366 = tpu.memref_slice %arg4[%add3A_359, %dma_wait3A_365] : memref<327680x16xf32, #tpu.memory_space<hbm>> -> memref<128x16xf32, #tpu.memory_space<hbm>>
      %dma_wait3A_367 = arith.constant 0 : i32
      %dma_wait3A_368 = tpu.memref_slice %arg4[%add3A_359, %dma_wait3A_367] : memref<327680x16xf32, #tpu.memory_space<hbm>> -> memref<128x16xf32, #tpu.memory_space<hbm>>
      %dma_wait3A_369 = arith.constant 0 : i32
      %dma_wait3A_370 = arith.constant 0 : i32
      %dma_wait3A_371 = tpu.memref_slice %arg6[%dma_wait3A_360, %dma_wait3A_369, %dma_wait3A_370] : memref<8x128x16xf32, #tpu.memory_space<vmem>> -> memref<1x128x16xf32, #tpu.memory_space<vmem>>
      %dma_wait3A_372 = tpu.memref_squeeze %dma_wait3A_371 : memref<1x128x16xf32, #tpu.memory_space<vmem>> -> memref<128x16xf32, #tpu.memory_space<vmem>>
      tpu.wait_dma2 semaphore(%arg8 : memref<!tpu.dma_semaphore, #tpu.memory_space<semaphore_mem>>) src(%dma_wait3A_372 : memref<128x16xf32, #tpu.memory_space<vmem>>) dst(%dma_wait3A_368 : memref<128x16xf32, #tpu.memory_space<hbm>>)
      %add3A_373 = arith.constant 1 : i32
      %add3A_374 = arith.addi %scan3A_105, %add3A_373 : i32
      %lt3A = arith.constant 10 : i32
      %lt3A_375 = arith.cmpi slt, %add3A_374, %lt3A : i32
      %convert_element_type3A = arith.extui %lt3A_375 : i1 to i32
      %cond3A = arith.constant 0 : i32
      %cond3A_376 = arith.cmpi ne, %convert_element_type3A, %cond3A : i32
      scf.if %cond3A_376 {
        %add3A_552 = arith.constant 8 : i32
        %add3A_553 = arith.addi %mul3A_107, %add3A_552 : i32
        %add3A_554 = arith.constant 0 : i32
        %add3A_555 = arith.addi %add3A_553, %add3A_554 : i32
        %dma_start3A_556 = arith.constant 0 : i32
        %dma_start3A_557 = arith.constant 0 : i32
        %dma_start3A_558 = arith.constant 0 : i32
        %dma_start3A_559 = tpu.memref_slice %arg6[%dma_start3A_556, %dma_start3A_557, %dma_start3A_558] : memref<8x128x16xf32, #tpu.memory_space<vmem>> -> memref<1x128x16xf32, #tpu.memory_space<vmem>>
        %dma_start3A_560 = tpu.memref_squeeze %dma_start3A_559 : memref<1x128x16xf32, #tpu.memory_space<vmem>> -> memref<128x16xf32, #tpu.memory_space<vmem>>
        %dma_start3A_561 = arith.constant 0 : i32
        %dma_start3A_562 = tpu.memref_slice %arg5[%add3A_555, %dma_start3A_561] : memref<80x128xi32, #tpu.memory_space<vmem>> -> memref<1x128xi32, #tpu.memory_space<vmem>>
        %dma_start3A_563 = tpu.memref_squeeze %dma_start3A_562 : memref<1x128xi32, #tpu.memory_space<vmem>> -> memref<128xi32, #tpu.memory_space<vmem>>
        %dma_start3A_564 = arith.constant 0 : i32
        %dma_start3A_565 = arith.constant 0 : i32
        %dma_start3A_566 = tpu.memref_slice %arg3[%dma_start3A_564, %dma_start3A_565] : memref<1000000x16xf32, #tpu.memory_space<hbm>> -> memref<1000000x16xf32, #tpu.memory_space<hbm>>
        tpu.enqueue_indirect_dma source(%dma_start3A_566 : memref<1000000x16xf32, #tpu.memory_space<hbm>>) target(%dma_start3A_560 : memref<128x16xf32, #tpu.memory_space<vmem>>) offsets(%dma_start3A_563 : memref<128xi32, #tpu.memory_space<vmem>>) semaphore(%arg7 : memref<!tpu.dma_semaphore, #tpu.memory_space<semaphore_mem>>)
      } else {
      }
      %add3A_377 = arith.constant 1 : i32
      %add3A_378 = arith.addi %mul3A_107, %add3A_377 : i32
      %mul3A_379 = arith.constant 128 : i32
      %mul3A_380 = arith.muli %add3A_378, %mul3A_379 : i32
      %add3A_381 = arith.addi %mul3A_2, %mul3A_380 : i32
      %dma_wait3A_382 = arith.constant 1 : i32
      %dma_wait3A_383 = arith.constant 0 : i32
      %dma_wait3A_384 = arith.constant 0 : i32
      %dma_wait3A_385 = tpu.memref_slice %arg6[%dma_wait3A_382, %dma_wait3A_383, %dma_wait3A_384] : memref<8x128x16xf32, #tpu.memory_space<vmem>> -> memref<1x128x16xf32, #tpu.memory_space<vmem>>
      %dma_wait3A_386 = tpu.memref_squeeze %dma_wait3A_385 : memref<1x128x16xf32, #tpu.memory_space<vmem>> -> memref<128x16xf32, #tpu.memory_space<vmem>>
      %dma_wait3A_387 = arith.constant 0 : i32
      %dma_wait3A_388 = tpu.memref_slice %arg4[%add3A_381, %dma_wait3A_387] : memref<327680x16xf32, #tpu.memory_space<hbm>> -> memref<128x16xf32, #tpu.memory_space<hbm>>
      %dma_wait3A_389 = arith.constant 0 : i32
      %dma_wait3A_390 = tpu.memref_slice %arg4[%add3A_381, %dma_wait3A_389] : memref<327680x16xf32, #tpu.memory_space<hbm>> -> memref<128x16xf32, #tpu.memory_space<hbm>>
      %dma_wait3A_391 = arith.constant 0 : i32
      %dma_wait3A_392 = arith.constant 0 : i32
      %dma_wait3A_393 = tpu.memref_slice %arg6[%dma_wait3A_382, %dma_wait3A_391, %dma_wait3A_392] : memref<8x128x16xf32, #tpu.memory_space<vmem>> -> memref<1x128x16xf32, #tpu.memory_space<vmem>>
      %dma_wait3A_394 = tpu.memref_squeeze %dma_wait3A_393 : memref<1x128x16xf32, #tpu.memory_space<vmem>> -> memref<128x16xf32, #tpu.memory_space<vmem>>
      tpu.wait_dma2 semaphore(%arg8 : memref<!tpu.dma_semaphore, #tpu.memory_space<semaphore_mem>>) src(%dma_wait3A_394 : memref<128x16xf32, #tpu.memory_space<vmem>>) dst(%dma_wait3A_390 : memref<128x16xf32, #tpu.memory_space<hbm>>)
      %add3A_395 = arith.constant 1 : i32
      %add3A_396 = arith.addi %scan3A_105, %add3A_395 : i32
      %lt3A_397 = arith.constant 10 : i32
      %lt3A_398 = arith.cmpi slt, %add3A_396, %lt3A_397 : i32
      %convert_element_type3A_399 = arith.extui %lt3A_398 : i1 to i32
      %cond3A_400 = arith.constant 0 : i32
      %cond3A_401 = arith.cmpi ne, %convert_element_type3A_399, %cond3A_400 : i32
      scf.if %cond3A_401 {
        %add3A_552 = arith.constant 8 : i32
        %add3A_553 = arith.addi %mul3A_107, %add3A_552 : i32
        %add3A_554 = arith.constant 1 : i32
        %add3A_555 = arith.addi %add3A_553, %add3A_554 : i32
        %dma_start3A_556 = arith.constant 1 : i32
        %dma_start3A_557 = arith.constant 0 : i32
        %dma_start3A_558 = arith.constant 0 : i32
        %dma_start3A_559 = tpu.memref_slice %arg6[%dma_start3A_556, %dma_start3A_557, %dma_start3A_558] : memref<8x128x16xf32, #tpu.memory_space<vmem>> -> memref<1x128x16xf32, #tpu.memory_space<vmem>>
        %dma_start3A_560 = tpu.memref_squeeze %dma_start3A_559 : memref<1x128x16xf32, #tpu.memory_space<vmem>> -> memref<128x16xf32, #tpu.memory_space<vmem>>
        %dma_start3A_561 = arith.constant 0 : i32
        %dma_start3A_562 = tpu.memref_slice %arg5[%add3A_555, %dma_start3A_561] : memref<80x128xi32, #tpu.memory_space<vmem>> -> memref<1x128xi32, #tpu.memory_space<vmem>>
        %dma_start3A_563 = tpu.memref_squeeze %dma_start3A_562 : memref<1x128xi32, #tpu.memory_space<vmem>> -> memref<128xi32, #tpu.memory_space<vmem>>
        %dma_start3A_564 = arith.constant 0 : i32
        %dma_start3A_565 = arith.constant 0 : i32
        %dma_start3A_566 = tpu.memref_slice %arg3[%dma_start3A_564, %dma_start3A_565] : memref<1000000x16xf32, #tpu.memory_space<hbm>> -> memref<1000000x16xf32, #tpu.memory_space<hbm>>
        tpu.enqueue_indirect_dma source(%dma_start3A_566 : memref<1000000x16xf32, #tpu.memory_space<hbm>>) target(%dma_start3A_560 : memref<128x16xf32, #tpu.memory_space<vmem>>) offsets(%dma_start3A_563 : memref<128xi32, #tpu.memory_space<vmem>>) semaphore(%arg7 : memref<!tpu.dma_semaphore, #tpu.memory_space<semaphore_mem>>)
      } else {
      }
      %add3A_402 = arith.constant 2 : i32
      %add3A_403 = arith.addi %mul3A_107, %add3A_402 : i32
      %mul3A_404 = arith.constant 128 : i32
      %mul3A_405 = arith.muli %add3A_403, %mul3A_404 : i32
      %add3A_406 = arith.addi %mul3A_2, %mul3A_405 : i32
      %dma_wait3A_407 = arith.constant 2 : i32
      %dma_wait3A_408 = arith.constant 0 : i32
      %dma_wait3A_409 = arith.constant 0 : i32
      %dma_wait3A_410 = tpu.memref_slice %arg6[%dma_wait3A_407, %dma_wait3A_408, %dma_wait3A_409] : memref<8x128x16xf32, #tpu.memory_space<vmem>> -> memref<1x128x16xf32, #tpu.memory_space<vmem>>
      %dma_wait3A_411 = tpu.memref_squeeze %dma_wait3A_410 : memref<1x128x16xf32, #tpu.memory_space<vmem>> -> memref<128x16xf32, #tpu.memory_space<vmem>>
      %dma_wait3A_412 = arith.constant 0 : i32
      %dma_wait3A_413 = tpu.memref_slice %arg4[%add3A_406, %dma_wait3A_412] : memref<327680x16xf32, #tpu.memory_space<hbm>> -> memref<128x16xf32, #tpu.memory_space<hbm>>
      %dma_wait3A_414 = arith.constant 0 : i32
      %dma_wait3A_415 = tpu.memref_slice %arg4[%add3A_406, %dma_wait3A_414] : memref<327680x16xf32, #tpu.memory_space<hbm>> -> memref<128x16xf32, #tpu.memory_space<hbm>>
      %dma_wait3A_416 = arith.constant 0 : i32
      %dma_wait3A_417 = arith.constant 0 : i32
      %dma_wait3A_418 = tpu.memref_slice %arg6[%dma_wait3A_407, %dma_wait3A_416, %dma_wait3A_417] : memref<8x128x16xf32, #tpu.memory_space<vmem>> -> memref<1x128x16xf32, #tpu.memory_space<vmem>>
      %dma_wait3A_419 = tpu.memref_squeeze %dma_wait3A_418 : memref<1x128x16xf32, #tpu.memory_space<vmem>> -> memref<128x16xf32, #tpu.memory_space<vmem>>
      tpu.wait_dma2 semaphore(%arg8 : memref<!tpu.dma_semaphore, #tpu.memory_space<semaphore_mem>>) src(%dma_wait3A_419 : memref<128x16xf32, #tpu.memory_space<vmem>>) dst(%dma_wait3A_415 : memref<128x16xf32, #tpu.memory_space<hbm>>)
      %add3A_420 = arith.constant 1 : i32
      %add3A_421 = arith.addi %scan3A_105, %add3A_420 : i32
      %lt3A_422 = arith.constant 10 : i32
      %lt3A_423 = arith.cmpi slt, %add3A_421, %lt3A_422 : i32
      %convert_element_type3A_424 = arith.extui %lt3A_423 : i1 to i32
      %cond3A_425 = arith.constant 0 : i32
      %cond3A_426 = arith.cmpi ne, %convert_element_type3A_424, %cond3A_425 : i32
      scf.if %cond3A_426 {
        %add3A_552 = arith.constant 8 : i32
        %add3A_553 = arith.addi %mul3A_107, %add3A_552 : i32
        %add3A_554 = arith.constant 2 : i32
        %add3A_555 = arith.addi %add3A_553, %add3A_554 : i32
        %dma_start3A_556 = arith.constant 2 : i32
        %dma_start3A_557 = arith.constant 0 : i32
        %dma_start3A_558 = arith.constant 0 : i32
        %dma_start3A_559 = tpu.memref_slice %arg6[%dma_start3A_556, %dma_start3A_557, %dma_start3A_558] : memref<8x128x16xf32, #tpu.memory_space<vmem>> -> memref<1x128x16xf32, #tpu.memory_space<vmem>>
        %dma_start3A_560 = tpu.memref_squeeze %dma_start3A_559 : memref<1x128x16xf32, #tpu.memory_space<vmem>> -> memref<128x16xf32, #tpu.memory_space<vmem>>
        %dma_start3A_561 = arith.constant 0 : i32
        %dma_start3A_562 = tpu.memref_slice %arg5[%add3A_555, %dma_start3A_561] : memref<80x128xi32, #tpu.memory_space<vmem>> -> memref<1x128xi32, #tpu.memory_space<vmem>>
        %dma_start3A_563 = tpu.memref_squeeze %dma_start3A_562 : memref<1x128xi32, #tpu.memory_space<vmem>> -> memref<128xi32, #tpu.memory_space<vmem>>
        %dma_start3A_564 = arith.constant 0 : i32
        %dma_start3A_565 = arith.constant 0 : i32
        %dma_start3A_566 = tpu.memref_slice %arg3[%dma_start3A_564, %dma_start3A_565] : memref<1000000x16xf32, #tpu.memory_space<hbm>> -> memref<1000000x16xf32, #tpu.memory_space<hbm>>
        tpu.enqueue_indirect_dma source(%dma_start3A_566 : memref<1000000x16xf32, #tpu.memory_space<hbm>>) target(%dma_start3A_560 : memref<128x16xf32, #tpu.memory_space<vmem>>) offsets(%dma_start3A_563 : memref<128xi32, #tpu.memory_space<vmem>>) semaphore(%arg7 : memref<!tpu.dma_semaphore, #tpu.memory_space<semaphore_mem>>)
      } else {
      }
      %add3A_427 = arith.constant 3 : i32
      %add3A_428 = arith.addi %mul3A_107, %add3A_427 : i32
      %mul3A_429 = arith.constant 128 : i32
      %mul3A_430 = arith.muli %add3A_428, %mul3A_429 : i32
      %add3A_431 = arith.addi %mul3A_2, %mul3A_430 : i32
      %dma_wait3A_432 = arith.constant 3 : i32
      %dma_wait3A_433 = arith.constant 0 : i32
      %dma_wait3A_434 = arith.constant 0 : i32
      %dma_wait3A_435 = tpu.memref_slice %arg6[%dma_wait3A_432, %dma_wait3A_433, %dma_wait3A_434] : memref<8x128x16xf32, #tpu.memory_space<vmem>> -> memref<1x128x16xf32, #tpu.memory_space<vmem>>
      %dma_wait3A_436 = tpu.memref_squeeze %dma_wait3A_435 : memref<1x128x16xf32, #tpu.memory_space<vmem>> -> memref<128x16xf32, #tpu.memory_space<vmem>>
      %dma_wait3A_437 = arith.constant 0 : i32
      %dma_wait3A_438 = tpu.memref_slice %arg4[%add3A_431, %dma_wait3A_437] : memref<327680x16xf32, #tpu.memory_space<hbm>> -> memref<128x16xf32, #tpu.memory_space<hbm>>
      %dma_wait3A_439 = arith.constant 0 : i32
      %dma_wait3A_440 = tpu.memref_slice %arg4[%add3A_431, %dma_wait3A_439] : memref<327680x16xf32, #tpu.memory_space<hbm>> -> memref<128x16xf32, #tpu.memory_space<hbm>>
      %dma_wait3A_441 = arith.constant 0 : i32
      %dma_wait3A_442 = arith.constant 0 : i32
      %dma_wait3A_443 = tpu.memref_slice %arg6[%dma_wait3A_432, %dma_wait3A_441, %dma_wait3A_442] : memref<8x128x16xf32, #tpu.memory_space<vmem>> -> memref<1x128x16xf32, #tpu.memory_space<vmem>>
      %dma_wait3A_444 = tpu.memref_squeeze %dma_wait3A_443 : memref<1x128x16xf32, #tpu.memory_space<vmem>> -> memref<128x16xf32, #tpu.memory_space<vmem>>
      tpu.wait_dma2 semaphore(%arg8 : memref<!tpu.dma_semaphore, #tpu.memory_space<semaphore_mem>>) src(%dma_wait3A_444 : memref<128x16xf32, #tpu.memory_space<vmem>>) dst(%dma_wait3A_440 : memref<128x16xf32, #tpu.memory_space<hbm>>)
      %add3A_445 = arith.constant 1 : i32
      %add3A_446 = arith.addi %scan3A_105, %add3A_445 : i32
      %lt3A_447 = arith.constant 10 : i32
      %lt3A_448 = arith.cmpi slt, %add3A_446, %lt3A_447 : i32
      %convert_element_type3A_449 = arith.extui %lt3A_448 : i1 to i32
      %cond3A_450 = arith.constant 0 : i32
      %cond3A_451 = arith.cmpi ne, %convert_element_type3A_449, %cond3A_450 : i32
      scf.if %cond3A_451 {
        %add3A_552 = arith.constant 8 : i32
        %add3A_553 = arith.addi %mul3A_107, %add3A_552 : i32
        %add3A_554 = arith.constant 3 : i32
        %add3A_555 = arith.addi %add3A_553, %add3A_554 : i32
        %dma_start3A_556 = arith.constant 3 : i32
        %dma_start3A_557 = arith.constant 0 : i32
        %dma_start3A_558 = arith.constant 0 : i32
        %dma_start3A_559 = tpu.memref_slice %arg6[%dma_start3A_556, %dma_start3A_557, %dma_start3A_558] : memref<8x128x16xf32, #tpu.memory_space<vmem>> -> memref<1x128x16xf32, #tpu.memory_space<vmem>>
        %dma_start3A_560 = tpu.memref_squeeze %dma_start3A_559 : memref<1x128x16xf32, #tpu.memory_space<vmem>> -> memref<128x16xf32, #tpu.memory_space<vmem>>
        %dma_start3A_561 = arith.constant 0 : i32
        %dma_start3A_562 = tpu.memref_slice %arg5[%add3A_555, %dma_start3A_561] : memref<80x128xi32, #tpu.memory_space<vmem>> -> memref<1x128xi32, #tpu.memory_space<vmem>>
        %dma_start3A_563 = tpu.memref_squeeze %dma_start3A_562 : memref<1x128xi32, #tpu.memory_space<vmem>> -> memref<128xi32, #tpu.memory_space<vmem>>
        %dma_start3A_564 = arith.constant 0 : i32
        %dma_start3A_565 = arith.constant 0 : i32
        %dma_start3A_566 = tpu.memref_slice %arg3[%dma_start3A_564, %dma_start3A_565] : memref<1000000x16xf32, #tpu.memory_space<hbm>> -> memref<1000000x16xf32, #tpu.memory_space<hbm>>
        tpu.enqueue_indirect_dma source(%dma_start3A_566 : memref<1000000x16xf32, #tpu.memory_space<hbm>>) target(%dma_start3A_560 : memref<128x16xf32, #tpu.memory_space<vmem>>) offsets(%dma_start3A_563 : memref<128xi32, #tpu.memory_space<vmem>>) semaphore(%arg7 : memref<!tpu.dma_semaphore, #tpu.memory_space<semaphore_mem>>)
      } else {
      }
      %add3A_452 = arith.constant 4 : i32
      %add3A_453 = arith.addi %mul3A_107, %add3A_452 : i32
      %mul3A_454 = arith.constant 128 : i32
      %mul3A_455 = arith.muli %add3A_453, %mul3A_454 : i32
      %add3A_456 = arith.addi %mul3A_2, %mul3A_455 : i32
      %dma_wait3A_457 = arith.constant 4 : i32
      %dma_wait3A_458 = arith.constant 0 : i32
      %dma_wait3A_459 = arith.constant 0 : i32
      %dma_wait3A_460 = tpu.memref_slice %arg6[%dma_wait3A_457, %dma_wait3A_458, %dma_wait3A_459] : memref<8x128x16xf32, #tpu.memory_space<vmem>> -> memref<1x128x16xf32, #tpu.memory_space<vmem>>
      %dma_wait3A_461 = tpu.memref_squeeze %dma_wait3A_460 : memref<1x128x16xf32, #tpu.memory_space<vmem>> -> memref<128x16xf32, #tpu.memory_space<vmem>>
      %dma_wait3A_462 = arith.constant 0 : i32
      %dma_wait3A_463 = tpu.memref_slice %arg4[%add3A_456, %dma_wait3A_462] : memref<327680x16xf32, #tpu.memory_space<hbm>> -> memref<128x16xf32, #tpu.memory_space<hbm>>
      %dma_wait3A_464 = arith.constant 0 : i32
      %dma_wait3A_465 = tpu.memref_slice %arg4[%add3A_456, %dma_wait3A_464] : memref<327680x16xf32, #tpu.memory_space<hbm>> -> memref<128x16xf32, #tpu.memory_space<hbm>>
      %dma_wait3A_466 = arith.constant 0 : i32
      %dma_wait3A_467 = arith.constant 0 : i32
      %dma_wait3A_468 = tpu.memref_slice %arg6[%dma_wait3A_457, %dma_wait3A_466, %dma_wait3A_467] : memref<8x128x16xf32, #tpu.memory_space<vmem>> -> memref<1x128x16xf32, #tpu.memory_space<vmem>>
      %dma_wait3A_469 = tpu.memref_squeeze %dma_wait3A_468 : memref<1x128x16xf32, #tpu.memory_space<vmem>> -> memref<128x16xf32, #tpu.memory_space<vmem>>
      tpu.wait_dma2 semaphore(%arg8 : memref<!tpu.dma_semaphore, #tpu.memory_space<semaphore_mem>>) src(%dma_wait3A_469 : memref<128x16xf32, #tpu.memory_space<vmem>>) dst(%dma_wait3A_465 : memref<128x16xf32, #tpu.memory_space<hbm>>)
      %add3A_470 = arith.constant 1 : i32
      %add3A_471 = arith.addi %scan3A_105, %add3A_470 : i32
      %lt3A_472 = arith.constant 10 : i32
      %lt3A_473 = arith.cmpi slt, %add3A_471, %lt3A_472 : i32
      %convert_element_type3A_474 = arith.extui %lt3A_473 : i1 to i32
      %cond3A_475 = arith.constant 0 : i32
      %cond3A_476 = arith.cmpi ne, %convert_element_type3A_474, %cond3A_475 : i32
      scf.if %cond3A_476 {
        %add3A_552 = arith.constant 8 : i32
        %add3A_553 = arith.addi %mul3A_107, %add3A_552 : i32
        %add3A_554 = arith.constant 4 : i32
        %add3A_555 = arith.addi %add3A_553, %add3A_554 : i32
        %dma_start3A_556 = arith.constant 4 : i32
        %dma_start3A_557 = arith.constant 0 : i32
        %dma_start3A_558 = arith.constant 0 : i32
        %dma_start3A_559 = tpu.memref_slice %arg6[%dma_start3A_556, %dma_start3A_557, %dma_start3A_558] : memref<8x128x16xf32, #tpu.memory_space<vmem>> -> memref<1x128x16xf32, #tpu.memory_space<vmem>>
        %dma_start3A_560 = tpu.memref_squeeze %dma_start3A_559 : memref<1x128x16xf32, #tpu.memory_space<vmem>> -> memref<128x16xf32, #tpu.memory_space<vmem>>
        %dma_start3A_561 = arith.constant 0 : i32
        %dma_start3A_562 = tpu.memref_slice %arg5[%add3A_555, %dma_start3A_561] : memref<80x128xi32, #tpu.memory_space<vmem>> -> memref<1x128xi32, #tpu.memory_space<vmem>>
        %dma_start3A_563 = tpu.memref_squeeze %dma_start3A_562 : memref<1x128xi32, #tpu.memory_space<vmem>> -> memref<128xi32, #tpu.memory_space<vmem>>
        %dma_start3A_564 = arith.constant 0 : i32
        %dma_start3A_565 = arith.constant 0 : i32
        %dma_start3A_566 = tpu.memref_slice %arg3[%dma_start3A_564, %dma_start3A_565] : memref<1000000x16xf32, #tpu.memory_space<hbm>> -> memref<1000000x16xf32, #tpu.memory_space<hbm>>
        tpu.enqueue_indirect_dma source(%dma_start3A_566 : memref<1000000x16xf32, #tpu.memory_space<hbm>>) target(%dma_start3A_560 : memref<128x16xf32, #tpu.memory_space<vmem>>) offsets(%dma_start3A_563 : memref<128xi32, #tpu.memory_space<vmem>>) semaphore(%arg7 : memref<!tpu.dma_semaphore, #tpu.memory_space<semaphore_mem>>)
      } else {
      }
      %add3A_477 = arith.constant 5 : i32
      %add3A_478 = arith.addi %mul3A_107, %add3A_477 : i32
      %mul3A_479 = arith.constant 128 : i32
      %mul3A_480 = arith.muli %add3A_478, %mul3A_479 : i32
      %add3A_481 = arith.addi %mul3A_2, %mul3A_480 : i32
      %dma_wait3A_482 = arith.constant 5 : i32
      %dma_wait3A_483 = arith.constant 0 : i32
      %dma_wait3A_484 = arith.constant 0 : i32
      %dma_wait3A_485 = tpu.memref_slice %arg6[%dma_wait3A_482, %dma_wait3A_483, %dma_wait3A_484] : memref<8x128x16xf32, #tpu.memory_space<vmem>> -> memref<1x128x16xf32, #tpu.memory_space<vmem>>
      %dma_wait3A_486 = tpu.memref_squeeze %dma_wait3A_485 : memref<1x128x16xf32, #tpu.memory_space<vmem>> -> memref<128x16xf32, #tpu.memory_space<vmem>>
      %dma_wait3A_487 = arith.constant 0 : i32
      %dma_wait3A_488 = tpu.memref_slice %arg4[%add3A_481, %dma_wait3A_487] : memref<327680x16xf32, #tpu.memory_space<hbm>> -> memref<128x16xf32, #tpu.memory_space<hbm>>
      %dma_wait3A_489 = arith.constant 0 : i32
      %dma_wait3A_490 = tpu.memref_slice %arg4[%add3A_481, %dma_wait3A_489] : memref<327680x16xf32, #tpu.memory_space<hbm>> -> memref<128x16xf32, #tpu.memory_space<hbm>>
      %dma_wait3A_491 = arith.constant 0 : i32
      %dma_wait3A_492 = arith.constant 0 : i32
      %dma_wait3A_493 = tpu.memref_slice %arg6[%dma_wait3A_482, %dma_wait3A_491, %dma_wait3A_492] : memref<8x128x16xf32, #tpu.memory_space<vmem>> -> memref<1x128x16xf32, #tpu.memory_space<vmem>>
      %dma_wait3A_494 = tpu.memref_squeeze %dma_wait3A_493 : memref<1x128x16xf32, #tpu.memory_space<vmem>> -> memref<128x16xf32, #tpu.memory_space<vmem>>
      tpu.wait_dma2 semaphore(%arg8 : memref<!tpu.dma_semaphore, #tpu.memory_space<semaphore_mem>>) src(%dma_wait3A_494 : memref<128x16xf32, #tpu.memory_space<vmem>>) dst(%dma_wait3A_490 : memref<128x16xf32, #tpu.memory_space<hbm>>)
      %add3A_495 = arith.constant 1 : i32
      %add3A_496 = arith.addi %scan3A_105, %add3A_495 : i32
      %lt3A_497 = arith.constant 10 : i32
      %lt3A_498 = arith.cmpi slt, %add3A_496, %lt3A_497 : i32
      %convert_element_type3A_499 = arith.extui %lt3A_498 : i1 to i32
      %cond3A_500 = arith.constant 0 : i32
      %cond3A_501 = arith.cmpi ne, %convert_element_type3A_499, %cond3A_500 : i32
      scf.if %cond3A_501 {
        %add3A_552 = arith.constant 8 : i32
        %add3A_553 = arith.addi %mul3A_107, %add3A_552 : i32
        %add3A_554 = arith.constant 5 : i32
        %add3A_555 = arith.addi %add3A_553, %add3A_554 : i32
        %dma_start3A_556 = arith.constant 5 : i32
        %dma_start3A_557 = arith.constant 0 : i32
        %dma_start3A_558 = arith.constant 0 : i32
        %dma_start3A_559 = tpu.memref_slice %arg6[%dma_start3A_556, %dma_start3A_557, %dma_start3A_558] : memref<8x128x16xf32, #tpu.memory_space<vmem>> -> memref<1x128x16xf32, #tpu.memory_space<vmem>>
        %dma_start3A_560 = tpu.memref_squeeze %dma_start3A_559 : memref<1x128x16xf32, #tpu.memory_space<vmem>> -> memref<128x16xf32, #tpu.memory_space<vmem>>
        %dma_start3A_561 = arith.constant 0 : i32
        %dma_start3A_562 = tpu.memref_slice %arg5[%add3A_555, %dma_start3A_561] : memref<80x128xi32, #tpu.memory_space<vmem>> -> memref<1x128xi32, #tpu.memory_space<vmem>>
        %dma_start3A_563 = tpu.memref_squeeze %dma_start3A_562 : memref<1x128xi32, #tpu.memory_space<vmem>> -> memref<128xi32, #tpu.memory_space<vmem>>
        %dma_start3A_564 = arith.constant 0 : i32
        %dma_start3A_565 = arith.constant 0 : i32
        %dma_start3A_566 = tpu.memref_slice %arg3[%dma_start3A_564, %dma_start3A_565] : memref<1000000x16xf32, #tpu.memory_space<hbm>> -> memref<1000000x16xf32, #tpu.memory_space<hbm>>
        tpu.enqueue_indirect_dma source(%dma_start3A_566 : memref<1000000x16xf32, #tpu.memory_space<hbm>>) target(%dma_start3A_560 : memref<128x16xf32, #tpu.memory_space<vmem>>) offsets(%dma_start3A_563 : memref<128xi32, #tpu.memory_space<vmem>>) semaphore(%arg7 : memref<!tpu.dma_semaphore, #tpu.memory_space<semaphore_mem>>)
      } else {
      }
      %add3A_502 = arith.constant 6 : i32
      %add3A_503 = arith.addi %mul3A_107, %add3A_502 : i32
      %mul3A_504 = arith.constant 128 : i32
      %mul3A_505 = arith.muli %add3A_503, %mul3A_504 : i32
      %add3A_506 = arith.addi %mul3A_2, %mul3A_505 : i32
      %dma_wait3A_507 = arith.constant 6 : i32
      %dma_wait3A_508 = arith.constant 0 : i32
      %dma_wait3A_509 = arith.constant 0 : i32
      %dma_wait3A_510 = tpu.memref_slice %arg6[%dma_wait3A_507, %dma_wait3A_508, %dma_wait3A_509] : memref<8x128x16xf32, #tpu.memory_space<vmem>> -> memref<1x128x16xf32, #tpu.memory_space<vmem>>
      %dma_wait3A_511 = tpu.memref_squeeze %dma_wait3A_510 : memref<1x128x16xf32, #tpu.memory_space<vmem>> -> memref<128x16xf32, #tpu.memory_space<vmem>>
      %dma_wait3A_512 = arith.constant 0 : i32
      %dma_wait3A_513 = tpu.memref_slice %arg4[%add3A_506, %dma_wait3A_512] : memref<327680x16xf32, #tpu.memory_space<hbm>> -> memref<128x16xf32, #tpu.memory_space<hbm>>
      %dma_wait3A_514 = arith.constant 0 : i32
      %dma_wait3A_515 = tpu.memref_slice %arg4[%add3A_506, %dma_wait3A_514] : memref<327680x16xf32, #tpu.memory_space<hbm>> -> memref<128x16xf32, #tpu.memory_space<hbm>>
      %dma_wait3A_516 = arith.constant 0 : i32
      %dma_wait3A_517 = arith.constant 0 : i32
      %dma_wait3A_518 = tpu.memref_slice %arg6[%dma_wait3A_507, %dma_wait3A_516, %dma_wait3A_517] : memref<8x128x16xf32, #tpu.memory_space<vmem>> -> memref<1x128x16xf32, #tpu.memory_space<vmem>>
      %dma_wait3A_519 = tpu.memref_squeeze %dma_wait3A_518 : memref<1x128x16xf32, #tpu.memory_space<vmem>> -> memref<128x16xf32, #tpu.memory_space<vmem>>
      tpu.wait_dma2 semaphore(%arg8 : memref<!tpu.dma_semaphore, #tpu.memory_space<semaphore_mem>>) src(%dma_wait3A_519 : memref<128x16xf32, #tpu.memory_space<vmem>>) dst(%dma_wait3A_515 : memref<128x16xf32, #tpu.memory_space<hbm>>)
      %add3A_520 = arith.constant 1 : i32
      %add3A_521 = arith.addi %scan3A_105, %add3A_520 : i32
      %lt3A_522 = arith.constant 10 : i32
      %lt3A_523 = arith.cmpi slt, %add3A_521, %lt3A_522 : i32
      %convert_element_type3A_524 = arith.extui %lt3A_523 : i1 to i32
      %cond3A_525 = arith.constant 0 : i32
      %cond3A_526 = arith.cmpi ne, %convert_element_type3A_524, %cond3A_525 : i32
      scf.if %cond3A_526 {
        %add3A_552 = arith.constant 8 : i32
        %add3A_553 = arith.addi %mul3A_107, %add3A_552 : i32
        %add3A_554 = arith.constant 6 : i32
        %add3A_555 = arith.addi %add3A_553, %add3A_554 : i32
        %dma_start3A_556 = arith.constant 6 : i32
        %dma_start3A_557 = arith.constant 0 : i32
        %dma_start3A_558 = arith.constant 0 : i32
        %dma_start3A_559 = tpu.memref_slice %arg6[%dma_start3A_556, %dma_start3A_557, %dma_start3A_558] : memref<8x128x16xf32, #tpu.memory_space<vmem>> -> memref<1x128x16xf32, #tpu.memory_space<vmem>>
        %dma_start3A_560 = tpu.memref_squeeze %dma_start3A_559 : memref<1x128x16xf32, #tpu.memory_space<vmem>> -> memref<128x16xf32, #tpu.memory_space<vmem>>
        %dma_start3A_561 = arith.constant 0 : i32
        %dma_start3A_562 = tpu.memref_slice %arg5[%add3A_555, %dma_start3A_561] : memref<80x128xi32, #tpu.memory_space<vmem>> -> memref<1x128xi32, #tpu.memory_space<vmem>>
        %dma_start3A_563 = tpu.memref_squeeze %dma_start3A_562 : memref<1x128xi32, #tpu.memory_space<vmem>> -> memref<128xi32, #tpu.memory_space<vmem>>
        %dma_start3A_564 = arith.constant 0 : i32
        %dma_start3A_565 = arith.constant 0 : i32
        %dma_start3A_566 = tpu.memref_slice %arg3[%dma_start3A_564, %dma_start3A_565] : memref<1000000x16xf32, #tpu.memory_space<hbm>> -> memref<1000000x16xf32, #tpu.memory_space<hbm>>
        tpu.enqueue_indirect_dma source(%dma_start3A_566 : memref<1000000x16xf32, #tpu.memory_space<hbm>>) target(%dma_start3A_560 : memref<128x16xf32, #tpu.memory_space<vmem>>) offsets(%dma_start3A_563 : memref<128xi32, #tpu.memory_space<vmem>>) semaphore(%arg7 : memref<!tpu.dma_semaphore, #tpu.memory_space<semaphore_mem>>)
      } else {
      }
      %add3A_527 = arith.constant 7 : i32
      %add3A_528 = arith.addi %mul3A_107, %add3A_527 : i32
      %mul3A_529 = arith.constant 128 : i32
      %mul3A_530 = arith.muli %add3A_528, %mul3A_529 : i32
      %add3A_531 = arith.addi %mul3A_2, %mul3A_530 : i32
      %dma_wait3A_532 = arith.constant 7 : i32
      %dma_wait3A_533 = arith.constant 0 : i32
      %dma_wait3A_534 = arith.constant 0 : i32
      %dma_wait3A_535 = tpu.memref_slice %arg6[%dma_wait3A_532, %dma_wait3A_533, %dma_wait3A_534] : memref<8x128x16xf32, #tpu.memory_space<vmem>> -> memref<1x128x16xf32, #tpu.memory_space<vmem>>
      %dma_wait3A_536 = tpu.memref_squeeze %dma_wait3A_535 : memref<1x128x16xf32, #tpu.memory_space<vmem>> -> memref<128x16xf32, #tpu.memory_space<vmem>>
      %dma_wait3A_537 = arith.constant 0 : i32
      %dma_wait3A_538 = tpu.memref_slice %arg4[%add3A_531, %dma_wait3A_537] : memref<327680x16xf32, #tpu.memory_space<hbm>> -> memref<128x16xf32, #tpu.memory_space<hbm>>
      %dma_wait3A_539 = arith.constant 0 : i32
      %dma_wait3A_540 = tpu.memref_slice %arg4[%add3A_531, %dma_wait3A_539] : memref<327680x16xf32, #tpu.memory_space<hbm>> -> memref<128x16xf32, #tpu.memory_space<hbm>>
      %dma_wait3A_541 = arith.constant 0 : i32
      %dma_wait3A_542 = arith.constant 0 : i32
      %dma_wait3A_543 = tpu.memref_slice %arg6[%dma_wait3A_532, %dma_wait3A_541, %dma_wait3A_542] : memref<8x128x16xf32, #tpu.memory_space<vmem>> -> memref<1x128x16xf32, #tpu.memory_space<vmem>>
      %dma_wait3A_544 = tpu.memref_squeeze %dma_wait3A_543 : memref<1x128x16xf32, #tpu.memory_space<vmem>> -> memref<128x16xf32, #tpu.memory_space<vmem>>
      tpu.wait_dma2 semaphore(%arg8 : memref<!tpu.dma_semaphore, #tpu.memory_space<semaphore_mem>>) src(%dma_wait3A_544 : memref<128x16xf32, #tpu.memory_space<vmem>>) dst(%dma_wait3A_540 : memref<128x16xf32, #tpu.memory_space<hbm>>)
      %add3A_545 = arith.constant 1 : i32
      %add3A_546 = arith.addi %scan3A_105, %add3A_545 : i32
      %lt3A_547 = arith.constant 10 : i32
      %lt3A_548 = arith.cmpi slt, %add3A_546, %lt3A_547 : i32
      %convert_element_type3A_549 = arith.extui %lt3A_548 : i1 to i32
      %cond3A_550 = arith.constant 0 : i32
      %cond3A_551 = arith.cmpi ne, %convert_element_type3A_549, %cond3A_550 : i32
      scf.if %cond3A_551 {
        %add3A_552 = arith.constant 8 : i32
        %add3A_553 = arith.addi %mul3A_107, %add3A_552 : i32
        %add3A_554 = arith.constant 7 : i32
        %add3A_555 = arith.addi %add3A_553, %add3A_554 : i32
        %dma_start3A_556 = arith.constant 7 : i32
        %dma_start3A_557 = arith.constant 0 : i32
        %dma_start3A_558 = arith.constant 0 : i32
        %dma_start3A_559 = tpu.memref_slice %arg6[%dma_start3A_556, %dma_start3A_557, %dma_start3A_558] : memref<8x128x16xf32, #tpu.memory_space<vmem>> -> memref<1x128x16xf32, #tpu.memory_space<vmem>>
        %dma_start3A_560 = tpu.memref_squeeze %dma_start3A_559 : memref<1x128x16xf32, #tpu.memory_space<vmem>> -> memref<128x16xf32, #tpu.memory_space<vmem>>
        %dma_start3A_561 = arith.constant 0 : i32
        %dma_start3A_562 = tpu.memref_slice %arg5[%add3A_555, %dma_start3A_561] : memref<80x128xi32, #tpu.memory_space<vmem>> -> memref<1x128xi32, #tpu.memory_space<vmem>>
        %dma_start3A_563 = tpu.memref_squeeze %dma_start3A_562 : memref<1x128xi32, #tpu.memory_space<vmem>> -> memref<128xi32, #tpu.memory_space<vmem>>
        %dma_start3A_564 = arith.constant 0 : i32
        %dma_start3A_565 = arith.constant 0 : i32
        %dma_start3A_566 = tpu.memref_slice %arg3[%dma_start3A_564, %dma_start3A_565] : memref<1000000x16xf32, #tpu.memory_space<hbm>> -> memref<1000000x16xf32, #tpu.memory_space<hbm>>
        tpu.enqueue_indirect_dma source(%dma_start3A_566 : memref<1000000x16xf32, #tpu.memory_space<hbm>>) target(%dma_start3A_560 : memref<128x16xf32, #tpu.memory_space<vmem>>) offsets(%dma_start3A_563 : memref<128xi32, #tpu.memory_space<vmem>>) semaphore(%arg7 : memref<!tpu.dma_semaphore, #tpu.memory_space<semaphore_mem>>)
      } else {
      }
    }
    %scan3A_104 = arith.constant 10 : i32
    return
  }
}

module attributes {stable_mosaic.version = 14 : i64} {
  func.func @_dense_body(%arg0: i32, %arg1: memref<2560x128xf32, #tpu.memory_space<vmem>>, %arg2: memref<128x30xf32, #tpu.memory_space<vmem>>, %arg3: memref<1x6xf32, #tpu.memory_space<vmem>>, %arg4: memref<512x6xf32, #tpu.memory_space<vmem>>) attributes {dimension_semantics = [#tpu.dimension_semantics<arbitrary>], iteration_bounds = array<i64: 16>, scalar_prefetch = 0 : i64, scratch_operands = 0 : i64, tpu.core_type = #tpu.core_type<tc>, window_params = [{transform_indices = @transform_0, window_bounds = array<i64: 2560, 128>}, {pipeline_mode = #tpu.pipeline_mode<synchronous>, transform_indices = @transform_1, window_bounds = array<i64: 128, 30>}, {pipeline_mode = #tpu.pipeline_mode<synchronous>, transform_indices = @transform_2, window_bounds = array<i64: 1, 6>}, {transform_indices = @transform_3, window_bounds = array<i64: 512, 6>}]} {
    %get3A = arith.constant 0 : index
    %get3A_0 = arith.constant 0 : index
    %get3A_1 = vector.load %arg1[%get3A, %get3A_0] : memref<2560x128xf32, #tpu.memory_space<vmem>>, vector<2560x128xf32>
    %reshape3A = vector.shape_cast %get3A_1 : vector<2560x128xf32> to vector<512x5x128xf32>
    %get3A_2 = arith.constant 0 : index
    %get3A_3 = arith.constant 0 : index
    %get3A_4 = vector.load %arg2[%get3A_2, %get3A_3] : memref<128x30xf32, #tpu.memory_space<vmem>>, vector<128x30xf32>
    %reshape3A_5 = vector.shape_cast %get3A_4 : vector<128x30xf32> to vector<128x5x6xf32>
    %slice3A = vector.extract_strided_slice %reshape3A {offsets = [0, 0, 0], sizes = [512, 1, 128], strides = [1, 1, 1]} : vector<512x5x128xf32> to vector<512x1x128xf32>
    %squeeze3A = vector.shape_cast %slice3A : vector<512x1x128xf32> to vector<512x128xf32>
    %slice3A_6 = vector.extract_strided_slice %reshape3A_5 {offsets = [0, 0, 0], sizes = [128, 1, 6], strides = [1, 1, 1]} : vector<128x5x6xf32> to vector<128x1x6xf32>
    %squeeze3A_7 = vector.shape_cast %slice3A_6 : vector<128x1x6xf32> to vector<128x6xf32>
    %dot_general3A = arith.constant dense<0.000000e+00> : vector<512x6xf32>
    %dot_general3A_8 = tpu.matmul %squeeze3A, %squeeze3A_7, %dot_general3A {dimension_numbers = #tpu.dot_dimension_numbers<[1], [0], [0], [1], [0, 0, 1, 1], [], []>, transpose_lhs_hint = false} : vector<512x128xf32>, vector<128x6xf32>, vector<512x6xf32> -> vector<512x6xf32>
    %slice3A_9 = vector.extract_strided_slice %reshape3A {offsets = [0, 1, 0], sizes = [512, 1, 128], strides = [1, 1, 1]} : vector<512x5x128xf32> to vector<512x1x128xf32>
    %squeeze3A_10 = vector.shape_cast %slice3A_9 : vector<512x1x128xf32> to vector<512x128xf32>
    %slice3A_11 = vector.extract_strided_slice %reshape3A_5 {offsets = [0, 1, 0], sizes = [128, 1, 6], strides = [1, 1, 1]} : vector<128x5x6xf32> to vector<128x1x6xf32>
    %squeeze3A_12 = vector.shape_cast %slice3A_11 : vector<128x1x6xf32> to vector<128x6xf32>
    %dot_general3A_13 = arith.constant dense<0.000000e+00> : vector<512x6xf32>
    %dot_general3A_14 = tpu.matmul %squeeze3A_10, %squeeze3A_12, %dot_general3A_13 {dimension_numbers = #tpu.dot_dimension_numbers<[1], [0], [0], [1], [0, 0, 1, 1], [], []>, transpose_lhs_hint = false} : vector<512x128xf32>, vector<128x6xf32>, vector<512x6xf32> -> vector<512x6xf32>
    %add3A = arith.addf %dot_general3A_8, %dot_general3A_14 : vector<512x6xf32>
    %slice3A_15 = vector.extract_strided_slice %reshape3A {offsets = [0, 2, 0], sizes = [512, 1, 128], strides = [1, 1, 1]} : vector<512x5x128xf32> to vector<512x1x128xf32>
    %squeeze3A_16 = vector.shape_cast %slice3A_15 : vector<512x1x128xf32> to vector<512x128xf32>
    %slice3A_17 = vector.extract_strided_slice %reshape3A_5 {offsets = [0, 2, 0], sizes = [128, 1, 6], strides = [1, 1, 1]} : vector<128x5x6xf32> to vector<128x1x6xf32>
    %squeeze3A_18 = vector.shape_cast %slice3A_17 : vector<128x1x6xf32> to vector<128x6xf32>
    %dot_general3A_19 = arith.constant dense<0.000000e+00> : vector<512x6xf32>
    %dot_general3A_20 = tpu.matmul %squeeze3A_16, %squeeze3A_18, %dot_general3A_19 {dimension_numbers = #tpu.dot_dimension_numbers<[1], [0], [0], [1], [0, 0, 1, 1], [], []>, transpose_lhs_hint = false} : vector<512x128xf32>, vector<128x6xf32>, vector<512x6xf32> -> vector<512x6xf32>
    %add3A_21 = arith.addf %add3A, %dot_general3A_20 : vector<512x6xf32>
    %slice3A_22 = vector.extract_strided_slice %reshape3A {offsets = [0, 3, 0], sizes = [512, 1, 128], strides = [1, 1, 1]} : vector<512x5x128xf32> to vector<512x1x128xf32>
    %squeeze3A_23 = vector.shape_cast %slice3A_22 : vector<512x1x128xf32> to vector<512x128xf32>
    %slice3A_24 = vector.extract_strided_slice %reshape3A_5 {offsets = [0, 3, 0], sizes = [128, 1, 6], strides = [1, 1, 1]} : vector<128x5x6xf32> to vector<128x1x6xf32>
    %squeeze3A_25 = vector.shape_cast %slice3A_24 : vector<128x1x6xf32> to vector<128x6xf32>
    %dot_general3A_26 = arith.constant dense<0.000000e+00> : vector<512x6xf32>
    %dot_general3A_27 = tpu.matmul %squeeze3A_23, %squeeze3A_25, %dot_general3A_26 {dimension_numbers = #tpu.dot_dimension_numbers<[1], [0], [0], [1], [0, 0, 1, 1], [], []>, transpose_lhs_hint = false} : vector<512x128xf32>, vector<128x6xf32>, vector<512x6xf32> -> vector<512x6xf32>
    %add3A_28 = arith.addf %add3A_21, %dot_general3A_27 : vector<512x6xf32>
    %slice3A_29 = vector.extract_strided_slice %reshape3A {offsets = [0, 4, 0], sizes = [512, 1, 128], strides = [1, 1, 1]} : vector<512x5x128xf32> to vector<512x1x128xf32>
    %squeeze3A_30 = vector.shape_cast %slice3A_29 : vector<512x1x128xf32> to vector<512x128xf32>
    %slice3A_31 = vector.extract_strided_slice %reshape3A_5 {offsets = [0, 4, 0], sizes = [128, 1, 6], strides = [1, 1, 1]} : vector<128x5x6xf32> to vector<128x1x6xf32>
    %squeeze3A_32 = vector.shape_cast %slice3A_31 : vector<128x1x6xf32> to vector<128x6xf32>
    %dot_general3A_33 = arith.constant dense<0.000000e+00> : vector<512x6xf32>
    %dot_general3A_34 = tpu.matmul %squeeze3A_30, %squeeze3A_32, %dot_general3A_33 {dimension_numbers = #tpu.dot_dimension_numbers<[1], [0], [0], [1], [0, 0, 1, 1], [], []>, transpose_lhs_hint = false} : vector<512x128xf32>, vector<128x6xf32>, vector<512x6xf32> -> vector<512x6xf32>
    %add3A_35 = arith.addf %add3A_28, %dot_general3A_34 : vector<512x6xf32>
    %get3A_36 = arith.constant 0 : index
    %get3A_37 = arith.constant 0 : index
    %get3A_38 = vector.load %arg3[%get3A_36, %get3A_37] : memref<1x6xf32, #tpu.memory_space<vmem>>, vector<1x6xf32>
    %add3A_39 = vector.broadcast %get3A_38 : vector<1x6xf32> to vector<512x6xf32>
    %add3A_40 = arith.addf %add3A_35, %add3A_39 : vector<512x6xf32>
    %slice3A_41 = vector.extract_strided_slice %add3A_40 {offsets = [0, 0], sizes = [512, 3], strides = [1, 1]} : vector<512x6xf32> to vector<512x3xf32>
    %reduce_max3A = arith.constant dense<0xFF800000> : vector<512xf32>
    %reduce_max3A_42 = vector.multi_reduction <maximumf>, %slice3A_41, %reduce_max3A [1] : vector<512x3xf32> to vector<512xf32>
    %broadcast_in_dim3A = vector.shape_cast %reduce_max3A_42 : vector<512xf32> to vector<512x1xf32>
    %sub3A = vector.broadcast %broadcast_in_dim3A : vector<512x1xf32> to vector<512x3xf32>
    %sub3A_43 = arith.subf %slice3A_41, %sub3A : vector<512x3xf32>
    %exp3A = math.exp %sub3A_43 : vector<512x3xf32>
    %reduce_sum3A = arith.constant dense<0.000000e+00> : vector<512xf32>
    %reduce_sum3A_44 = vector.multi_reduction <add>, %exp3A, %reduce_sum3A [1] : vector<512x3xf32> to vector<512xf32>
    %broadcast_in_dim3A_45 = vector.shape_cast %reduce_sum3A_44 : vector<512xf32> to vector<512x1xf32>
    %log3A = math.log %broadcast_in_dim3A_45 : vector<512x1xf32>
    %add3A_46 = arith.addf %log3A, %broadcast_in_dim3A : vector<512x1xf32>
    %sub3A_47 = vector.broadcast %add3A_46 : vector<512x1xf32> to vector<512x3xf32>
    %sub3A_48 = arith.subf %slice3A_41, %sub3A_47 : vector<512x3xf32>
    %slice3A_49 = vector.extract_strided_slice %add3A_40 {offsets = [0, 3], sizes = [512, 3], strides = [1, 1]} : vector<512x6xf32> to vector<512x3xf32>
    %reduce_max3A_50 = arith.constant dense<0xFF800000> : vector<512xf32>
    %reduce_max3A_51 = vector.multi_reduction <maximumf>, %slice3A_49, %reduce_max3A_50 [1] : vector<512x3xf32> to vector<512xf32>
    %broadcast_in_dim3A_52 = vector.shape_cast %reduce_max3A_51 : vector<512xf32> to vector<512x1xf32>
    %sub3A_53 = vector.broadcast %broadcast_in_dim3A_52 : vector<512x1xf32> to vector<512x3xf32>
    %sub3A_54 = arith.subf %slice3A_49, %sub3A_53 : vector<512x3xf32>
    %exp3A_55 = math.exp %sub3A_54 : vector<512x3xf32>
    %reduce_sum3A_56 = arith.constant dense<0.000000e+00> : vector<512xf32>
    %reduce_sum3A_57 = vector.multi_reduction <add>, %exp3A_55, %reduce_sum3A_56 [1] : vector<512x3xf32> to vector<512xf32>
    %broadcast_in_dim3A_58 = vector.shape_cast %reduce_sum3A_57 : vector<512xf32> to vector<512x1xf32>
    %log3A_59 = math.log %broadcast_in_dim3A_58 : vector<512x1xf32>
    %add3A_60 = arith.addf %log3A_59, %broadcast_in_dim3A_52 : vector<512x1xf32>
    %sub3A_61 = vector.broadcast %add3A_60 : vector<512x1xf32> to vector<512x3xf32>
    %sub3A_62 = arith.subf %slice3A_49, %sub3A_61 : vector<512x3xf32>
    %concatenate3A = tpu.concatenate %sub3A_48, %sub3A_62 in 1 : vector<512x3xf32>, vector<512x3xf32> -> vector<512x6xf32>
    %swap3A = arith.constant 0 : index
    %swap3A_63 = arith.constant 0 : index
    %swap3A_64 = vector.load %arg4[%swap3A, %swap3A_63] : memref<512x6xf32, #tpu.memory_space<vmem>>, vector<512x6xf32>
    tpu.vector_store %arg4[%swap3A, %swap3A_63], %concatenate3A {strides = array<i32>} : memref<512x6xf32, #tpu.memory_space<vmem>>, vector<512x6xf32>,
    return
  }
  func.func @transform_0(%arg0: i32) -> (i32, i32) {
    %c0_i32 = arith.constant 0 : i32
    %c0_i32_0 = arith.constant 0 : i32
    return %arg0, %c0_i32 : i32, i32
  }
  func.func @transform_1(%arg0: i32) -> (i32, i32) {
    %c0_i32 = arith.constant 0 : i32
    %c0_i32_0 = arith.constant 0 : i32
    %c0_i32_1 = arith.constant 0 : i32
    return %c0_i32, %c0_i32_0 : i32, i32
  }
  func.func @transform_2(%arg0: i32) -> (i32, i32) {
    %c0_i32 = arith.constant 0 : i32
    %c0_i32_0 = arith.constant 0 : i32
    %c0_i32_1 = arith.constant 0 : i32
    return %c0_i32, %c0_i32_0 : i32, i32
  }
  func.func @transform_3(%arg0: i32) -> (i32, i32) {
    %c0_i32 = arith.constant 0 : i32
    %c0_i32_0 = arith.constant 0 : i32
    return %arg0, %c0_i32 : i32, i32
  }
}

</mosaic_0001>

<sc_bundles>
// kernel: kernel.4.cloned.1.call-start
scs
__scs_entry_jumppad:
0x0: {  	(pc) =	sbr.rel $0x88, $3  }
0x1: {  	(tag) =	ssettag $0x0;
	lr =	simm.s32 $0x1  }
0x2: {  	[smem:$0x3F9D] =	sst lr;
	_ =	strace $0xD0000000  }
0x3: {  	_ = 	snop  }
0x4: {  	_ = 	snop  }
0x5: {  	_ = 	snop  }
0x6: {  	_ = 	snop  }
0x7: {  	_ = 	snop  }
__scs_overlays_trampoline_lowered:
0x8: {  	[smem:$0x3FAC] =	sst s0  }
0x9: {  	[smem:$0x3FAD] =	sst s1  }
0xa: {  	[smem:$0x3FAE] =	sst s2  }
0xb: {  	[smem:$0x3FAF] =	sst s3  }
0xc: {  	[smem:$0x3FB0] =	sst s4  }
0xd: {  	[smem:$0x3FB1] =	sst s5  }
0xe: {  	[smem:$0x3FB2] =	sst s6  }
0xf: {  	[smem:$0x3FB3] =	sst s7  }
0x10: {  	[smem:$0x3FB4] =	sst s8  }
0x11: {  	[smem:$0x3FB5] =	sst s9;
	s0 =	simm.s32 @!p0 $0x0  }
0x12: {  	s1 =	sld [smem:$0x3F9B];
	s0 =	simm.s32 @p0 $0x1  }
0x13: {  	[smem:$0x3FB6] =	sst s0;
	s0 =	simm.s32 @!p1 $0x0  }
0x14: {  	s2 =	sld [smem:$0x3F9A];
	s0 =	simm.s32 @p1 $0x1  }
0x15: {  	[smem:$0x3FB7] =	sst s0;
	s0 =	simm.s32 @!p2 $0x0  }
0x16: {  	s3 =	sld [smem:$0x3FDB];
	s0 =	simm.s32 @p2 $0x1  }
0x17: {  	s4 =	simm.s32 $0x1BF5;
	[smem:$0x3FB9] =	sst s0  }
0x18: {  	s0 =	sld [smem:$0x3F9C];
	_ =	swait.ge [sflag:s4], $0x0  }
0x19: {  	s7 =	sld [smem:$0x3F9D]  }
0x1a: {  	s8 =	sadd.s32 $0xFFFFE003, lr  }
0x1b: {  	s9 =	sadd.s32 $0xFFFFFEF7, lr;
	s5 =	simm.s32 $0xFFFFFFFF;
	p2 =	slt.u32 s8, $0xFFFFF086  }
0x1c: {  	p1 =	slt.u32 s9, $0xF7A;
	s5 =	simm.s32 @!p2 $0x0  }
0x1d: {  	s5 =	simm.s32 @p1 $0x1;
	p0 =	seq.s32 s7, s2  }
0x1e: {  	s7 =	smul.u32 @!p0 $0xF7A, s2;
	p2 =	seq.s32 @!p0 s5, $0x0  }
0x1f: {  	s9 =	smul.u32 $0xF7A, s1;
	s8 =	simm.s32 @!p0 $0x1BF5;
	p2 =	por !p2, p0  }
0x20: {  	[sflag:s8] =	ssyncset.s32 @!p0 $0xFFFFF086;
	s6 =	sadd.s32 @!p0 s3, s7;
	s7 =	simm.s32 @!p0 $0x108  }
0x21: {  	s3 =	sadd.s32 s3, s9;
	s6 =	sadd.s32 @!p0 $0x88, s6;
	s7 =	simm.s32 @p2 $0x1082  }
0x22: {  	[simem:s7], [sflag:s8] =	dma.local @!p0 [hbm:s6], $0xF7A  }
0x23: {  	s9 =	sor.u32 $0xD0000000, s2;
	s6 =	simm.s32 $0x108;
	_ =	swait.ge @!p0 [sflag:s8], $0x0  }
0x24: {  	s3 =	sadd.s32 $0x88, s3;
	s6 =	simm.s32 @!p1 $0x1082;
	[sflag:s4] =	ssyncset.s32 $0xFFFFF086  }
0x25: {  	[simem:s6], [sflag:s4] =	dma.local [hbm:s3], $0xF7A  }
0x26: {  	[smem:$0x3F9D] =	sst s1;
	(tag) =	ssettag s2;
	_ =	strace s9  }
0x27: {  	s1 =	sld [smem:$0x3FAD]  }
0x28: {  	s2 =	sld [smem:$0x3FAE]  }
0x29: {  	s4 =	sld [smem:$0x3FB0]  }
0x2a: {  	p0 =	seq.s32 s5, $0x0;
	s5 =	sld [smem:$0x3FB1]  }
0x2b: {  	s6 =	sld [smem:$0x3FB2]  }
0x2c: {  	s7 =	sld [smem:$0x3FB3]  }
0x2d: {  	s3 =	simm.s32 $0x108;
	s8 =	sld [smem:$0x3FB4]  }
0x2e: {  	s3 =	simm.s32 @!p0 $0x1082;
	s9 =	sld [smem:$0x3FB5]  }
0x2f: {  	lr =	sadd.s32 s0, s3;
	s0 =	sld [smem:$0x3FAC]  }
0x30: {  	s3 =	sld [smem:$0x3FAF]  }
0x31: {  	[smem:$0x3FB8] =	sst s10  }
0x32: {  	s10 =	sld [smem:$0x3FB6];
	_ =	sdelay $0x3  }
0x33: {  	p0 =	seq.s32 s10, $0x1;
	s10 =	sld [smem:$0x3FB8];
	_ =	sdelay $0x3  }
0x34: {  	[smem:$0x3FB8] =	sst s10  }
0x35: {  	s10 =	sld [smem:$0x3FB7];
	_ =	sdelay $0x3  }
0x36: {  	p1 =	seq.s32 s10, $0x1;
	s10 =	sld [smem:$0x3FB8];
	_ =	sdelay $0x3  }
0x37: {  	[smem:$0x3FB8] =	sst s10  }
0x38: {  	s10 =	sld [smem:$0x3FB9]  }
0x39: {  	_ = 	snop;
	(pc) =	sbr.ind lr, $3  }
0x3a: {  	_ = 	snop  }
0x3b: {  	_ = 	snop  }
0x3c: {  	p2 =	seq.s32 s10, $0x1;
	s10 =	sld [smem:$0x3FB8]  }
0x3d: {  	_ =	shalt  }
0x3e: {  	_ =	shalt  }
0x3f: {  	_ =	shalt  }
0x40: {  	_ =	shalt  }
0x41: {  	_ =	shalt  }
0x42: {  	_ =	shalt  }
0x43: {  	_ =	shalt  }
0x44: {  	_ =	shalt  }
0x45: {  	_ =	shalt  }
0x46: {  	_ =	shalt  }
0x47: {  	_ =	shalt  }
0x48: {  	_ =	shalt  }
0x49: {  	_ =	shalt  }
0x4a: {  	_ =	shalt  }
0x4b: {  	_ =	shalt  }
0x4c: {  	_ =	shalt  }
0x4d: {  	_ =	shalt  }
0x4e: {  	_ =	shalt  }
0x4f: {  	_ =	shalt  }
0x50: {  	_ =	shalt  }
0x51: {  	_ =	shalt  }
0x52: {  	_ =	shalt  }
0x53: {  	_ =	shalt  }
0x54: {  	_ =	shalt  }
0x55: {  	_ =	shalt  }
0x56: {  	_ =	shalt  }
0x57: {  	_ =	shalt  }
0x58: {  	_ =	shalt  }
0x59: {  	_ =	shalt  }
0x5a: {  	_ =	shalt  }
0x5b: {  	_ =	shalt  }
0x5c: {  	_ =	shalt  }
0x5d: {  	_ =	shalt  }
0x5e: {  	_ =	shalt  }
0x5f: {  	_ =	shalt  }
0x60: {  	_ =	shalt  }
0x61: {  	_ =	shalt  }
0x62: {  	_ =	shalt  }
0x63: {  	_ =	shalt  }
0x64: {  	_ =	shalt  }
0x65: {  	_ =	shalt  }
0x66: {  	_ =	shalt  }
0x67: {  	_ =	shalt  }
0x68: {  	_ =	shalt  }
0x69: {  	_ =	shalt  }
0x6a: {  	_ =	shalt  }
0x6b: {  	_ =	shalt  }
0x6c: {  	_ =	shalt  }
0x6d: {  	_ =	shalt  }
0x6e: {  	_ =	shalt  }
0x6f: {  	_ =	shalt  }
0x70: {  	_ =	shalt  }
0x71: {  	_ =	shalt  }
0x72: {  	_ =	shalt  }
0x73: {  	_ =	shalt  }
0x74: {  	_ =	shalt  }
0x75: {  	_ =	shalt  }
0x76: {  	_ =	shalt  }
0x77: {  	_ =	shalt  }
0x78: {  	_ =	shalt  }
0x79: {  	_ =	shalt  }
0x7a: {  	_ =	shalt  }
0x7b: {  	_ =	shalt  }
0x7c: {  	_ =	shalt  }
0x7d: {  	_ =	shalt  }
0x7e: {  	_ =	shalt  }
0x7f: {  	_ =	shalt  }
0x80: {  	_ =	shalt  }
0x81: {  	_ =	shalt  }
0x82: {  	_ =	shalt  }
0x83: {  	_ =	shalt  }
0x84: {  	_ =	shalt  }
0x85: {  	_ =	shalt  }
0x86: {  	_ =	shalt  }
0x87: {  	_ =	shalt  }
.Lfunc_end0:
.L_simem_size_0:
called_computation_lowered:
.L_overlay_start_0:
0x88: {  	s2 =	sld [smem:$0x3FD9]  }
0x89: {  	s3 =	sld [smem:$0x3FFE];
	_ =	sdelay $0x1  }
0x8a: {  	s1 =	srdreg.scid  }
0x8b: {  	s0 =	sand.u32 $0x1, s1  }
0x8c: {  	s16 =	sshll.u32 s0, $0xA;
	s2 =	sadd.s32 s3, s2  }
0x8d: {  	s2 =	sadd.s32 s2, s16  }
0x8e: {  	[smem:$0x3FC4] =	sst s2  }
0x8f: {  	_ = 	snop  }
0x90: {  	(tm) =	ssettm $0x1  }
0x91: {  	s17 =	sld [smem:$0x3FFB];
	_ =	sdelay $0x3  }
0x92: {  	_ =	strace s17  }
0x93: {  	s2 =	sld [smem:$0x3FFC];
	_ =	sdelay $0x3  }
0x94: {  	_ =	strace s2  }
0x95: {  	s2 =	sld [smem:$0x3FFD];
	_ =	sdelay $0x3  }
0x96: {  	_ =	strace s2  }
0x97: {  	_ =	strace $0x8FFFFFFF  }
0x98: {  	s18 =	sld [smem:$0x3FDB];
	_ =	sdelay $0x1  }
0x99: {  	s19 =	simm.s32 $_scs_section_size  }
0x9a: {  	s4 =	simm.s32 $_size__tile_overlayer_lowered;
	s5 =	simm.s32 $_tile_overlayer_lowered  }
0x9b: {  	s22 =	simm.s32 $0x1BFF;
	s21 =	sshll.u32 s5, $0x1;
	s2 =	sadd.s32 s19, s18  }
0x9c: {  	s6 =	simm.s32 $0x0;
	s20 =	sshll.u32 s4, $0x1;
	s4 =	sadd.s32 s21, s2  }
0x9d: {  	[timem:s6], [sflag:s22] =	dma.local [hbm:s4], s20  }
0x9e: {  	_ =	swait.ge [sflag:s22], s20  }
0x9f: {  	s3 =	ssub.s32 $0x0, s20;
	[sflag:s22] =	ssyncset.done $0x0  }
0xa0: {  	[sflag:s22] =	ssyncadd.s32 s3;
	_ =	sdelay $0x1  }
0xa1: {  	s23 =	simm.s32 $0x1B8B  }
0xa2: {  	_ =	swait.ge [sflag:s23], $0x1  }
0xa3: {  	[sflag:s23] =	ssyncset.done $0x0  }
0xa4: {  	s25 =	simm.s32 $0x1B8E;
	s24 =	sld [smem:$0x3FFE];
	[sflag:s23] =	ssyncadd.s32 $0xFFFFFFFF  }
0xa5: {  	s26 =	simm.s32 $execute0_lowered;
	[smem:$0x3FD2] =	sst s25  }
0xa6: {  	s4 =	sshll.u32 s26, $0x1;
	_ =	strace $0x80000046;
	[dreg:$0x1] =	wrdreg $0xFFFFFFFF  }
0xa7: {  	s28 =	simm.s32 $_size_execute0_lowered;
	s2 =	sadd.s32 s2, s4;
	[dreg:$0x0] =	wrdreg $0x0  }
0xa8: {  	s4 =	sshll.u32 s28, $0x1;
	[dreg:$0x2] =	wrdreg s2  }
0xa9: {  	[dreg:$0x3] =	wrdreg s4  }
0xaa: {  	[dreg:$0x4] =	wrdreg $0xC0  }
0xab: {  	_ =	task [dreg:s6], $0x5FFFF  }
0xac: {  	[dreg:$0x1] =	wrdreg $0xFFFFFFFF  }
0xad: {  	[dreg:$0x0] =	wrdreg $0x60  }
0xae: {  	[dreg:$0x2] =	wrdreg s24  }
0xaf: {  	[dreg:$0x3] =	wrdreg $0x9  }
0xb0: {  	_ =	task.clear_ibuf [dreg:s6], $0x4FFFF;
	_ =	strace $0x90000046  }
0xb1: {  	s29 =	simm.s32 $0x9;
	_ =	strace $0x80000048  }
0xb2: {  	_ =	swait.ge [sflag:s29], $0x1  }
0xb3: {  	[sflag:s29] =	ssyncadd.s32 $0xFFFFFFFF  }
0xb4: {  	_ =	strace $0x90000048  }
0xb5: {  	_ =	sfence  }
0xb6: {  	s30 =	sld [smem:$0x0];
	_ =	sdelay $0x2  }
0xb7: {  	s31 =	sshll.u32 s1, $0xD;
	s1 =	sshrl.u32 s1, $0x2  }
0xb8: {  	s3 =	sand.u32 $0x4000, s31;
	s1 =	sadd.s32 s1, s30  }
0xb9: {  	s0 =	sor.u32 s3, s0;
	s1 =	sshll.u32 s1, $0x11  }
0xba: {  	s0 =	sor.u32 s1, s0  }
0xbb: {  	s0 =	sadd.s32 $0x8F2B, s0  }
0xbc: {  	[sflag:s0] =	ssyncadd.remote.s32 $0x1  }
0xbd: {  	_ =	sfence.sel $0xFFFF  }
0xbe: {  	[dreg:$0x0] =	wrdreg $0xFFFFFFFF;
	(pc) =	sbr.abs _section_cstart, $3  }
0xbf: {  	[dreg:$0x1] =	wrdreg $0xFFFFFFFF  }
0xc0: {  	_ =	task.clear_ibuf [dreg:s6], $0x2FFFF;
	_ =	strace $0x9FFFFFFF  }
0xc1: {  	(tm) =	ssettm $0x7FFFFFFF  }
tec
execute0_lowered:
.L_overlay_start_1:
0x0: {  	(tag) =	ssettag $0x1  }
0x1: {  	s0 =	srdreg.scid  }
0x2: {  	s3 =	stileid.u32;
	s4 =	rddreg [dreg:$0x0]  }
0x3: {  	s2 =	simm.s32 $0x0;
	s15 =	simm.s32 $0x3;
	s16 =	simm.s32 $0x80  }
0x4: {  	s17 =	simm.s32 $0x2800;
	s18 =	simm.s32 $0x3000;
	s20 =	simm.s32 $0x3800  }
0x5: {  	s22 =	simm.s32 $0x4000;
	s24 =	simm.s32 $0x4800;
	s29 =	simm.s32 $0x5800  }
0x6: {  	s30 =	simm.s32 $0x380;
	s31 =	simm.s32 $0x6000;
	s7 =	smul.u32 $0x50000, s3  }
0x7: {  	s19 =	simm.s32 $0x0;
	s0 =	sand.u32 $0x1, s0;
	s6 =	smul.u32 $0x5000, s3  }
0x8: {  	s1 =	sshll.u32 s3, $0x1;
	[smem:$0x7FF] =	sst s2;
	s8 =	smul.u32 $0x2800, s0  }
0x9: {  	s1 =	sor.u32 s0, s1;
	s5 =	ssub.s32 $0x2, s0;
	s0 =	smul.u32 $0x28000, s0  }
0xa: {  	s3 =	sadd.s32 $0xF42E00, s4;
	s21 =	sadd.s32 $0xAA00, s4;
	s1 =	smul.u32 $0x500, s1  }
0xb: {  	_ =	strace $0x80000047;
	s26 =	sshrl.u32 s5, $0x1;
	s28 =	sadd.s32 s8, s6  }
0xc: {  	s0 =	sadd.s32 s0, s7;
	s1 =	sadd.s32 s1, s4;
	s4 =	ssub.s32 s5, s26  }
.Ltmp0:
0xd: {  	s7 =	sshrl.u32 s0, $0x3;
	s26 =	simm.s32 $0x5000;
	(pc) =	sbr.rel .LBB2_1-.Ltmp0, $4  }
0xe: {  	s0 =	simm.s32 $0x2;
	s5 =	sadd.s32 $0xA00, s1;
	s1 =	sshll.u32 s28, $0x1  }
0xf: {  	s6 =	smax.u32 s4, $0x1;
	s8 =	sor.u32 $0x700, s1;
	s9 =	sor.u32 $0x600, s1  }
0x10: {  	s10 =	sor.u32 $0x500, s1;
	s11 =	sor.u32 $0x400, s1;
	s12 =	sor.u32 $0x300, s1  }
0x11: {  	s13 =	sor.u32 $0x200, s1;
	s14 =	sor.u32 $0x100, s1;
	s1 =	simm.s32 $0x1  }
.LBB2_3:
0x12: {  	_ =	swait.ge [sflag:s0], $0x800  }
0x13: {  	[sflag:s0] =	ssyncset.done $0x0  }
0x14: {  	[sflag:s0] =	ssyncadd.s32 $0xFFFFF800  }
0x15: {  	_ =	swait.ge [sflag:s0], $0x800  }
0x16: {  	[sflag:s0] =	ssyncset.done $0x0  }
0x17: {  	[sflag:s0] =	ssyncadd.s32 $0xFFFFF800  }
0x18: {  	_ =	swait.ge [sflag:s0], $0x800  }
0x19: {  	[sflag:s0] =	ssyncset.done $0x0  }
0x1a: {  	[sflag:s0] =	ssyncadd.s32 $0xFFFFF800  }
0x1b: {  	_ =	swait.ge [sflag:s0], $0x800  }
0x1c: {  	[sflag:s0] =	ssyncset.done $0x0  }
0x1d: {  	[sflag:s0] =	ssyncadd.s32 $0xFFFFF800  }
0x1e: {  	_ =	swait.ge [sflag:s0], $0x800  }
0x1f: {  	[sflag:s0] =	ssyncset.done $0x0  }
0x20: {  	[sflag:s0] =	ssyncadd.s32 $0xFFFFF800  }
0x21: {  	_ =	swait.ge [sflag:s0], $0x800  }
0x22: {  	[sflag:s0] =	ssyncset.done $0x0  }
0x23: {  	[sflag:s0] =	ssyncadd.s32 $0xFFFFF800  }
0x24: {  	_ =	swait.ge [sflag:s0], $0x800  }
0x25: {  	[sflag:s0] =	ssyncset.done $0x0  }
0x26: {  	[sflag:s0] =	ssyncadd.s32 $0xFFFFF800  }
.LBB2_5:
0x27: {  	s19 =	sadd.s32 $0x1, s19  }
0x28: {  	p0 =	sne.s32 s19, s6  }
.Ltmp1:
0x29: {  	_ = 	snop;
	(pc) =	sbr.rel @!p0 .LBB2_6-.Ltmp1, $1  }
0x2a: {  	_ =	sdelay $0x3  }
.LBB2_1:
0x2b: {  	[tilespmem:s2], [sflag:$0x3] =	stream.linear.gather [hbm4b:s5+s2], $0x2800, $0x38;
	[tilespmem:$0x6800] =	vst v63  }
0x2c: {  	_ =	swait.ge [sflag:s15], $0x2800  }
0x2d: {  	[sflag:s15] =	ssyncset.done $0x0  }
0x2e: {  	[sflag:s15] =	ssyncadd.s32 $0xFFFFD800  }
0x2f: {  	[tilespmem:s17], [sflag:$0x1] =	stream.indirect.gather [hbm4b:s3+s16], $0x10, s2, s16, $0xb8;
	[tilespmem:$0x6800] =	vst v63  }
0x30: {  	_ = 	snop  }
0x31: {  	[tilespmem:s18], [sflag:$0x1] =	stream.indirect.gather [hbm4b:s3+s16], $0x10, s16, s16, $0xb8;
	[tilespmem:$0x6800] =	vst v63  }
0x32: {  	s4 =	simm.s32 $0x100  }
0x33: {  	[tilespmem:s20], [sflag:$0x1] =	stream.indirect.gather [hbm4b:s3+s16], $0x10, s4, s16, $0xb8;
	[tilespmem:$0x6800] =	vst v63  }
0x34: {  	s28 =	simm.s32 $0x180  }
0x35: {  	[tilespmem:s22], [sflag:$0x1] =	stream.indirect.gather [hbm4b:s3+s16], $0x10, s28, s16, $0xb8;
	[tilespmem:$0x6800] =	vst v63  }
0x36: {  	s23 =	simm.s32 $0x200  }
0x37: {  	[tilespmem:s24], [sflag:$0x1] =	stream.indirect.gather [hbm4b:s3+s16], $0x10, s23, s16, $0xb8;
	[tilespmem:$0x6800] =	vst v63  }
0x38: {  	s25 =	simm.s32 $0x280  }
0x39: {  	[tilespmem:s26], [sflag:$0x1] =	stream.indirect.gather [hbm4b:s3+s16], $0x10, s25, s16, $0xb8;
	[tilespmem:$0x6800] =	vst v63  }
0x3a: {  	s28 =	simm.s32 $0x300  }
0x3b: {  	[tilespmem:s29], [sflag:$0x1] =	stream.indirect.gather [hbm4b:s3+s16], $0x10, s28, s16, $0xb8;
	[tilespmem:$0x6800] =	vst v63  }
0x3c: {  	s4 =	smov.u32 s21;
	s23 =	simm.s32 $0x0  }
0x3d: {  	[tilespmem:s31], [sflag:$0x1] =	stream.indirect.gather [hbm4b:s3+s16], $0x10, s30, s16, $0xb8;
	[tilespmem:$0x6800] =	vst v63  }
.LBB2_2:
0x3e: {  	_ =	swait.ge [sflag:s1], $0x800  }
0x3f: {  	[sflag:s1] =	ssyncset.done $0x0  }
0x40: {  	s25 =	sadd.s32 s4, s7;
	[sflag:s1] =	ssyncadd.s32 $0xFFFFF800  }
0x41: {  	[hbm4b:s25+s2] =	stream.linear.scatter [tilespmem:s17], [sflag:$0x2], $0x800, $0x38;
	[tilespmem:$0x6800] =	vst v63  }
0x42: {  	_ =	swait.ge [sflag:s1], $0x800  }
0x43: {  	[sflag:s1] =	ssyncset.done $0x0  }
0x44: {  	s28 =	sadd.s32 s4, s14;
	[sflag:s1] =	ssyncadd.s32 $0xFFFFF800  }
0x45: {  	[hbm4b:s28+s2] =	stream.linear.scatter [tilespmem:s18], [sflag:$0x2], $0x800, $0x38;
	[tilespmem:$0x6800] =	vst v63  }
0x46: {  	_ =	swait.ge [sflag:s1], $0x800  }
0x47: {  	[sflag:s1] =	ssyncset.done $0x0  }
0x48: {  	s28 =	sadd.s32 s4, s13;
	[sflag:s1] =	ssyncadd.s32 $0xFFFFF800  }
0x49: {  	[hbm4b:s28+s2] =	stream.linear.scatter [tilespmem:s20], [sflag:$0x2], $0x800, $0x38;
	[tilespmem:$0x6800] =	vst v63  }
0x4a: {  	_ =	swait.ge [sflag:s1], $0x800  }
0x4b: {  	[sflag:s1] =	ssyncset.done $0x0  }
0x4c: {  	s28 =	sadd.s32 s4, s12;
	[sflag:s1] =	ssyncadd.s32 $0xFFFFF800  }
0x4d: {  	[hbm4b:s28+s2] =	stream.linear.scatter [tilespmem:s22], [sflag:$0x2], $0x800, $0x38;
	[tilespmem:$0x6800] =	vst v63  }
0x4e: {  	_ =	swait.ge [sflag:s1], $0x800  }
0x4f: {  	[sflag:s1] =	ssyncset.done $0x0  }
0x50: {  	s28 =	sadd.s32 s4, s11;
	[sflag:s1] =	ssyncadd.s32 $0xFFFFF800  }
0x51: {  	[hbm4b:s28+s2] =	stream.linear.scatter [tilespmem:s24], [sflag:$0x2], $0x800, $0x38;
	[tilespmem:$0x6800] =	vst v63  }
0x52: {  	_ =	swait.ge [sflag:s1], $0x800  }
0x53: {  	[sflag:s1] =	ssyncset.done $0x0  }
0x54: {  	s28 =	sadd.s32 s4, s10;
	[sflag:s1] =	ssyncadd.s32 $0xFFFFF800  }
0x55: {  	[hbm4b:s28+s2] =	stream.linear.scatter [tilespmem:s26], [sflag:$0x2], $0x800, $0x38;
	[tilespmem:$0x6800] =	vst v63  }
0x56: {  	_ =	swait.ge [sflag:s1], $0x800  }
0x57: {  	[sflag:s1] =	ssyncset.done $0x0  }
0x58: {  	s28 =	sadd.s32 s4, s9;
	[sflag:s1] =	ssyncadd.s32 $0xFFFFF800  }
0x59: {  	[hbm4b:s28+s2] =	stream.linear.scatter [tilespmem:s29], [sflag:$0x2], $0x800, $0x38;
	[tilespmem:$0x6800] =	vst v63  }
0x5a: {  	_ =	swait.ge [sflag:s1], $0x800  }
0x5b: {  	p0 =	sne.s32 s23, $0x9000;
	[sflag:s1] =	ssyncset.done $0x0  }
.Ltmp2:
0x5c: {  	s28 =	sadd.s32 s4, s8;
	[sflag:s1] =	ssyncadd.s32 $0xFFFFF800;
	(pc) =	sbr.rel @!p0 .LBB2_3-.Ltmp2, $4  }
0x5d: {  	[hbm4b:s28+s2] =	stream.linear.scatter [tilespmem:s31], [sflag:$0x2], $0x800, $0x38;
	[tilespmem:$0x6800] =	vst v63  }
0x5e: {  	_ =	swait.ge [sflag:s0], $0x800  }
0x5f: {  	[sflag:s0] =	ssyncset.done $0x0  }
0x60: {  	[sflag:s0] =	ssyncadd.s32 $0xFFFFF800  }
0x61: {  	s25 =	sshra.s32 s23, $0x2  }
0x62: {  	s28 =	sadd.s32 $0x400, s25  }
0x63: {  	[tilespmem:s17], [sflag:$0x1] =	stream.indirect.gather [hbm4b:s3+s16], $0x10, s28, s16, $0xb8;
	[tilespmem:$0x6800] =	vst v63  }
0x64: {  	_ =	swait.ge [sflag:s0], $0x800  }
0x65: {  	[sflag:s0] =	ssyncset.done $0x0  }
0x66: {  	s28 =	sadd.s32 $0x480, s25;
	[sflag:s0] =	ssyncadd.s32 $0xFFFFF800  }
0x67: {  	[tilespmem:s18], [sflag:$0x1] =	stream.indirect.gather [hbm4b:s3+s16], $0x10, s28, s16, $0xb8;
	[tilespmem:$0x6800] =	vst v63  }
0x68: {  	_ =	swait.ge [sflag:s0], $0x800  }
0x69: {  	[sflag:s0] =	ssyncset.done $0x0  }
0x6a: {  	s28 =	sadd.s32 $0x500, s25;
	[sflag:s0] =	ssyncadd.s32 $0xFFFFF800  }
0x6b: {  	[tilespmem:s20], [sflag:$0x1] =	stream.indirect.gather [hbm4b:s3+s16], $0x10, s28, s16, $0xb8;
	[tilespmem:$0x6800] =	vst v63  }
0x6c: {  	_ =	swait.ge [sflag:s0], $0x800  }
0x6d: {  	[sflag:s0] =	ssyncset.done $0x0  }
0x6e: {  	s28 =	sadd.s32 $0x580, s25;
	[sflag:s0] =	ssyncadd.s32 $0xFFFFF800  }
0x6f: {  	[tilespmem:s22], [sflag:$0x1] =	stream.indirect.gather [hbm4b:s3+s16], $0x10, s28, s16, $0xb8;
	[tilespmem:$0x6800] =	vst v63  }
0x70: {  	_ =	swait.ge [sflag:s0], $0x800  }
0x71: {  	[sflag:s0] =	ssyncset.done $0x0  }
0x72: {  	s28 =	sadd.s32 $0x600, s25;
	[sflag:s0] =	ssyncadd.s32 $0xFFFFF800  }
0x73: {  	[tilespmem:s24], [sflag:$0x1] =	stream.indirect.gather [hbm4b:s3+s16], $0x10, s28, s16, $0xb8;
	[tilespmem:$0x6800] =	vst v63  }
0x74: {  	_ =	swait.ge [sflag:s0], $0x800  }
0x75: {  	[sflag:s0] =	ssyncset.done $0x0  }
0x76: {  	s28 =	sadd.s32 $0x680, s25;
	[sflag:s0] =	ssyncadd.s32 $0xFFFFF800  }
0x77: {  	[tilespmem:s26], [sflag:$0x1] =	stream.indirect.gather [hbm4b:s3+s16], $0x10, s28, s16, $0xb8;
	[tilespmem:$0x6800] =	vst v63  }
0x78: {  	_ =	swait.ge [sflag:s0], $0x800  }
0x79: {  	s23 =	sadd.s32 $0x1000, s23;
	[sflag:s0] =	ssyncset.done $0x0  }
0x7a: {  	p0 =	sne.s32 s23, $0xA000;
	s28 =	sadd.s32 $0x700, s25;
	[sflag:s0] =	ssyncadd.s32 $0xFFFFF800  }
0x7b: {  	[tilespmem:s29], [sflag:$0x1] =	stream.indirect.gather [hbm4b:s3+s16], $0x10, s28, s16, $0xb8;
	[tilespmem:$0x6800] =	vst v63  }
.Ltmp3:
0x7c: {  	_ = 	snop;
	(pc) =	sbr.rel @p0 .LBB2_2-.Ltmp3, $4  }
.Ltmp4:
0x7d: {  	_ =	swait.ge [sflag:s0], $0x800;
	(pc) =	sbr.rel @!p0 .LBB2_5-.Ltmp4, $4  }
0x7e: {  	[sflag:s0] =	ssyncset.done $0x0  }
0x7f: {  	s4 =	sadd.s32 $0x800, s4;
	s25 =	sadd.s32 $0x780, s25;
	[sflag:s0] =	ssyncadd.s32 $0xFFFFF800  }
0x80: {  	[tilespmem:s31], [sflag:$0x1] =	stream.indirect.gather [hbm4b:s3+s16], $0x10, s25, s16, $0xb8;
	[tilespmem:$0x6800] =	vst v63  }
0x81: {  	_ = 	snop  }
.LBB2_6:
0x82: {  	_ =	sfence.sel $0x180000  }
0x83: {  	[bflag:$0x0] =	sbarrier.arrive $0xFFFF  }
0x84: {  	_ =	strace $0x90000047  }
0x85: {  	s0 =	stileid.u32;
	[bflag:$0x2] =	sbarrier.arrive $0xFFFF  }
0x86: {  	p0 =	sne.s32 s0, $0x0;
	s0 =	rddreg [dreg:$0x1]  }
0x87: {  	s0 =	sadd.s32 @!p0 $0x100000, s0  }
0x88: {  	[sflag:s0] =	ssyncadd.tile.s32 @!p0 $0x1;
	_ =	shalt  }
.Lfunc_end2:
_tile_overlayer_lowered:
.L_overlay_start_2:
0x89: {  	(tag) =	ssettag $0x2  }
0x8a: {  	s0 =	rddreg [dreg:$0x0];
	s2 =	stileid.u32  }
0x8b: {  	s1 =	rddreg [dreg:$0x1];
	p0 =	sne.s32 s2, $0x0  }
0x8c: {  	s3 =	rddreg [dreg:$0x2];
	[bflag:$0x3] =	sbarrier.arrive $0xFFFF;
	s2 =	simm.s32 @!p0 $0x1C03  }
0x8d: {  	[timem:s3], [sflag:s2] =	dma.local @!p0 [hbm:s0], s1  }
0x8e: {  	s0 =	simm.s32 @!p0 $0x3  }
0x8f: {  	_ =	swait.ge @!p0 [sflag:s0], s1  }
0x90: {  	s1 =	ssub.s32 @!p0 $0x0, s1;
	[sflag:s0] =	ssyncset.done @!p0 $0x0  }
0x91: {  	[sflag:s0] =	ssyncadd.s32 @!p0 s1  }
0x92: {  	[bflag:$0x3] =	sbarrier.arrive $0xFFFF  }
0x93: {  	_ =	shalt  }

</sc_bundles>
